<compile_context>
chip_gen: v7x
topology: tpu7x:2x2x1
jax: 0.10.2.dev20260603
libtpu: 0.0.44.dev20260713+nightly
codegen_flags: <defaults>
</compile_context>

<pallas_src>
import functools

import jax
import jax.numpy as jnp
from jax import lax
from jax.experimental import pallas as pl
from jax.experimental.pallas import tpu as pltpu
from jax.experimental.pallas import tpu_sc as plsc

MAXLEN = 200
VOCAB = 100000
CPLEN = 200
NTILE = 16
WCOL = 6272
WLAST = 5888
TAILOFF = (NTILE - 1) * WCOL + WLAST
TAILW = VOCAB - TAILOFF


def _build_sc_gather():
    mesh = plsc.VectorSubcoreMesh(core_axis_name="c", subcore_axis_name="s")

    @functools.partial(
        pl.kernel,
        mesh=mesh,
        out_type=(
            jax.ShapeDtypeStruct((VOCAB,), jnp.float32),
            jax.ShapeDtypeStruct((VOCAB,), jnp.float32),
            jax.ShapeDtypeStruct((CPLEN,), jnp.float32),
            jax.ShapeDtypeStruct((1024,), jnp.int32),
        ),
        scratch_types=(
            pltpu.VMEM((16,), jnp.int32),
            pltpu.VMEM((8, WCOL), jnp.float32),
            pltpu.VMEM((CPLEN,), jnp.float32),
            pltpu.VMEM((TAILW,), jnp.float32),
            pltpu.VMEM((1024,), jnp.int32),
            pltpu.SemaphoreType.DMA,
        ),
    )
    def gather_rows(rule_hbm, token_hbm, copy_hbm, side_hbm, len_hbm,
                    rule_out, token_out, copy_out, len_out,
                    len_v, buf, cbuf, sbuf, lbuf, sem):
        cid = lax.axis_index("c")
        sid = lax.axis_index("s")

        pltpu.sync_copy(len_hbm.at[pl.ds(0, 16)], len_v)
        l0 = len_v[...][0]
        a = l0 - 1
        r = lax.rem(a, MAXLEN)
        l = jnp.where(r < 0, r + MAXLEN, r)

        lb = pl.multiple_of((l // 8) * 8, 8)
        lmod = l - lb

        for k, (tab, out) in enumerate(
                ((rule_hbm, rule_out), (token_hbm, token_out))):
            @pl.when(cid == k)
            def _(tab=tab, out=out):
                @pl.when(sid < NTILE - 1)
                def _():
                    col = sid * WCOL
                    pltpu.async_copy(
                        tab.at[pl.ds(lb, 8), pl.ds(col, WCOL)], buf, sem
                    ).wait()
                    pltpu.sync_copy(buf.at[lmod],
                                    out.at[pl.ds(col, WCOL)])

                @pl.when(sid == NTILE - 1)
                def _():
                    col = (NTILE - 1) * WCOL
                    bl = buf.at[:, pl.ds(0, WLAST)]
                    pltpu.async_copy(
                        tab.at[pl.ds(lb, 8), pl.ds(col, WLAST)], bl, sem
                    ).wait()
                    pltpu.sync_copy(buf.at[lmod, pl.ds(0, WLAST)],
                                    out.at[pl.ds(col, WLAST)])

        @pl.when((sid == 0) & (cid == 0))
        def _():
            pltpu.async_copy(copy_hbm.at[l], cbuf, sem).wait()
            pltpu.sync_copy(cbuf, copy_out)

        @pl.when((sid == 0) & (cid == 1))
        def _():
            pltpu.async_copy(side_hbm.at[l], sbuf, sem).wait()
            pltpu.sync_copy(sbuf, rule_out.at[pl.ds(TAILOFF, TAILW)])

        @pl.when((sid == 1) & (cid == 1))
        def _():
            pltpu.async_copy(side_hbm.at[MAXLEN + l], sbuf, sem).wait()
            pltpu.sync_copy(sbuf, token_out.at[pl.ds(TAILOFF, TAILW)])

        @pl.when((sid == 1) & (cid == 0))
        def _():
            pltpu.async_copy(len_hbm, lbuf, sem).wait()
            pltpu.sync_copy(lbuf, len_out)

    return gather_rows


_sc_gather = _build_sc_gather()


def kernel(rule_prob, token_prob, copy_prob, length):
    side = jnp.concatenate(
        (jax.lax.slice(rule_prob, (0, TAILOFF), (MAXLEN, VOCAB)),
         jax.lax.slice(token_prob, (0, TAILOFF), (MAXLEN, VOCAB))),
        axis=0)
    r, t, c, ln = _sc_gather(rule_prob, token_prob, copy_prob, side, length)
    return (r, t, c, ln)

# --- scband reference (transcript-rebuilt; emitter-appended) ---
"""Pipeline reference for scband-decoder-module-37898791420163 (READ-ONLY COPY).

The authoritative reference and input builder live on the scoring server;
editing this copy changes nothing except your own understanding.
"""

import jax, jax.numpy as jnp
import numpy as np

MAX_LEN = 200
VOCAB = 100000
COPY_LEN = 200
BATCH = 1024


def setup_inputs(seed: int = 0) -> dict:
    key = jax.random.key(seed)
    k1, k2, k3, k4 = jax.random.split(key, 4)
    rule_prob = jax.random.normal(k1, (MAX_LEN, VOCAB), dtype=jnp.float32)
    token_prob = jax.random.normal(k2, (MAX_LEN, VOCAB), dtype=jnp.float32)
    copy_prob = jax.random.normal(k3, (MAX_LEN, COPY_LEN), dtype=jnp.float32)
    length = jax.random.randint(k4, (BATCH,), 0, MAX_LEN, dtype=jnp.int32)
    return {
        "rule_prob": rule_prob,
        "token_prob": token_prob,
        "copy_prob": copy_prob,
        "length": length,
    }


def reference(rule_prob, token_prob, copy_prob, length):
    # Faithful translation of DecoderModule.forward:
    #   length = kwargs['length'][0] - 1
    #   rule_probs  = self.rule_prob[length]
    #   token_probs = self.token_prob[length]
    #   copy_probs  = self.copy_prob[length]
    # Wrap negative index (python-style) to stay faithful to torch semantics.
    l = (length[0] - 1) % rule_prob.shape[0]
    rule_probs = jnp.take(rule_prob, l, axis=0)
    token_probs = jnp.take(token_prob, l, axis=0)
    copy_probs = jnp.take(copy_prob, l, axis=0)
    # The original returns the kwargs dict augmented with these entries;
    # we return the newly computed tensors (plus the passthrough length).
    return (rule_probs, token_probs, copy_probs, length)

if __name__ == "__main__":
    import jax
    _d = setup_inputs()
    print(jax.jit(kernel)(*tuple(_d.values())))

</pallas_src>

<mosaic_0001>
#map = affine_map<(d0, d1) -> (0, 0)>
#map1 = affine_map<(d0, d1) -> (0)>
module attributes {stable_mosaic.version = 14 : i64} {
  func.func @gather_rows(%arg0: i32, %arg1: i32, %arg2: memref<200x100000xf32, #tpu.memory_space<hbm>>, %arg3: memref<200x100000xf32, #tpu.memory_space<hbm>>, %arg4: memref<200x200xf32, #tpu.memory_space<hbm>>, %arg5: memref<400x32xf32, #tpu.memory_space<hbm>>, %arg6: memref<1024xi32, #tpu.memory_space<hbm>>, %arg7: memref<100000xf32, #tpu.memory_space<hbm>>, %arg8: memref<100000xf32, #tpu.memory_space<hbm>>, %arg9: memref<200xf32, #tpu.memory_space<hbm>>, %arg10: memref<1024xi32, #tpu.memory_space<hbm>>, %arg11: memref<16xi32, #tpu.memory_space<vmem>>, %arg12: memref<8x6272xf32, #tpu.memory_space<vmem>>, %arg13: memref<200xf32, #tpu.memory_space<vmem>>, %arg14: memref<32xf32, #tpu.memory_space<vmem>>, %arg15: memref<1024xi32, #tpu.memory_space<vmem>>, %arg16: memref<!tpu.dma_semaphore, #tpu.memory_space<semaphore_mem>>) attributes {dimension_semantics = [#tpu.dimension_semantics<core_parallel>, #tpu.dimension_semantics<subcore_parallel>], iteration_bounds = array<i64: 2, 16>, scalar_prefetch = 0 : i64, scratch_operands = 6 : i64, tpu.core_type = #tpu.core_type<sc_vector_subcore>, window_params = [{transform_indices = #map}, {transform_indices = #map}, {transform_indices = #map}, {transform_indices = #map}, {transform_indices = #map1}, {transform_indices = #map1}, {transform_indices = #map1}, {transform_indices = #map1}, {transform_indices = #map1}]} {
    "tpu.region"() ({
      %run_scoped3A = tpu.sem_alloc : memref<!tpu.dma_semaphore, #tpu.memory_space<semaphore_mem>>
      %dma_start3A = arith.constant 0 : i32
      %dma_start3A_66 = tpu.memref_slice %arg6[%dma_start3A] : memref<1024xi32, #tpu.memory_space<hbm>> -> memref<16xi32, #tpu.memory_space<hbm>>
      %dma_start3A_67 = arith.constant 0 : i32
      %dma_start3A_68 = tpu.memref_slice %arg6[%dma_start3A_67] : memref<1024xi32, #tpu.memory_space<hbm>> -> memref<16xi32, #tpu.memory_space<hbm>>
      tpu.enqueue_dma source(%dma_start3A_68 : memref<16xi32, #tpu.memory_space<hbm>>) target(%arg11 : memref<16xi32, #tpu.memory_space<vmem>>) target_semaphore(%run_scoped3A : memref<!tpu.dma_semaphore, #tpu.memory_space<semaphore_mem>>)
      %dma_wait3A = arith.constant 0 : i32
      %dma_wait3A_69 = tpu.memref_slice %arg6[%dma_wait3A] : memref<1024xi32, #tpu.memory_space<hbm>> -> memref<16xi32, #tpu.memory_space<hbm>>
      %dma_wait3A_70 = arith.constant 0 : i32
      %dma_wait3A_71 = tpu.memref_slice %arg6[%dma_wait3A_70] : memref<1024xi32, #tpu.memory_space<hbm>> -> memref<16xi32, #tpu.memory_space<hbm>>
      tpu.wait_dma2 semaphore(%run_scoped3A : memref<!tpu.dma_semaphore, #tpu.memory_space<semaphore_mem>>) src(%dma_wait3A_71 : memref<16xi32, #tpu.memory_space<hbm>>) dst(%arg11 : memref<16xi32, #tpu.memory_space<vmem>>)
      tpu.yield
    }) : () -> ()
    %get3A = arith.constant 0 : index
    %get3A_0 = tpu.vector_load %arg11[%get3A] {strides = array<i32>} : memref<16xi32, #tpu.memory_space<vmem>>, vector<16xi32>,
    %get3A_1 = vector.shape_cast %get3A_0 : vector<16xi32> to vector<16xi32>
    %slice3A = vector.extract_strided_slice %get3A_1 {offsets = [0], sizes = [1], strides = [1]} : vector<16xi32> to vector<1xi32>
    %squeeze3A = vector.extract %slice3A[0] : i32 from vector<1xi32>
    %sub3A = arith.constant 1 : i32
    %sub3A_2 = arith.subi %squeeze3A, %sub3A : i32
    %rem3A = arith.constant 200 : i32
    %rem3A_3 = arith.remsi %sub3A_2, %rem3A : i32
    %lt3A = arith.constant 0 : i32
    %lt3A_4 = arith.cmpi slt, %rem3A_3, %lt3A : i32
    %add3A = arith.constant 200 : i32
    %add3A_5 = arith.addi %rem3A_3, %add3A : i32
    %select_n3A = arith.select %lt3A_4, %add3A_5, %rem3A_3 : i32
    %jit3A = arith.constant 8 : i32
    %div3A = arith.divsi %select_n3A, %jit3A : i32
    %sign3A = arith.constant 0 : i32
    %sign3A_6 = arith.cmpi sgt, %select_n3A, %sign3A : i32
    %sign3A_7 = arith.extui %sign3A_6 : i1 to i32
    %sign3A_8 = arith.constant 0 : i32
    %sign3A_9 = arith.cmpi slt, %select_n3A, %sign3A_8 : i32
    %sign3A_10 = arith.extui %sign3A_9 : i1 to i32
    %sign3A_11 = arith.subi %sign3A_7, %sign3A_10 : i32
    %sign3A_12 = arith.constant 0 : i32
    %sign3A_13 = arith.cmpi sgt, %jit3A, %sign3A_12 : i32
    %sign3A_14 = arith.extui %sign3A_13 : i1 to i32
    %sign3A_15 = arith.constant 0 : i32
    %sign3A_16 = arith.cmpi slt, %jit3A, %sign3A_15 : i32
    %sign3A_17 = arith.extui %sign3A_16 : i1 to i32
    %sign3A_18 = arith.subi %sign3A_14, %sign3A_17 : i32
    %ne3A = arith.cmpi ne, %sign3A_11, %sign3A_18 : i32
    %rem3A_19 = arith.remsi %select_n3A, %jit3A : i32
    %ne3A_20 = arith.constant 0 : i32
    %ne3A_21 = arith.cmpi ne, %rem3A_19, %ne3A_20 : i32
    %and3A = arith.andi %ne3A, %ne3A_21 : i1
    %sub3A_22 = arith.constant 1 : i32
    %sub3A_23 = arith.subi %div3A, %sub3A_22 : i32
    %select_n3A_24 = arith.select %and3A, %sub3A_23, %div3A : i32
    %mul3A = arith.constant 8 : i32
    %mul3A_25 = arith.muli %select_n3A_24, %mul3A : i32
    %multiple_of3A = tpu.assume_multiple %mul3A_25, 8 : i32
    %sub3A_26 = arith.subi %select_n3A, %multiple_of3A : i32
    %eq3A = arith.constant 0 : i32
    %eq3A_27 = arith.cmpi eq, %arg0, %eq3A : i32
    %convert_element_type3A = arith.extui %eq3A_27 : i1 to i32
    %cond3A = arith.constant 0 : i32
    %cond3A_28 = arith.cmpi ne, %convert_element_type3A, %cond3A : i32
    scf.if %cond3A_28 {
      %lt3A_66 = arith.constant 15 : i32
      %lt3A_67 = arith.cmpi slt, %arg1, %lt3A_66 : i32
      %convert_element_type3A_68 = arith.extui %lt3A_67 : i1 to i32
      %cond3A_69 = arith.constant 0 : i32
      %cond3A_70 = arith.cmpi ne, %convert_element_type3A_68, %cond3A_69 : i32
      scf.if %cond3A_70 {
        %mul3A_76 = arith.constant 6272 : i32
        %mul3A_77 = arith.muli %arg1, %mul3A_76 : i32
        %dma_start3A = tpu.memref_slice %arg2[%multiple_of3A, %mul3A_77] : memref<200x100000xf32, #tpu.memory_space<hbm>> -> memref<8x6272xf32, #tpu.memory_space<hbm>>
        %dma_start3A_78 = tpu.memref_slice %arg2[%multiple_of3A, %mul3A_77] : memref<200x100000xf32, #tpu.memory_space<hbm>> -> memref<8x6272xf32, #tpu.memory_space<hbm>>
        tpu.enqueue_dma source(%dma_start3A_78 : memref<8x6272xf32, #tpu.memory_space<hbm>>) target(%arg12 : memref<8x6272xf32, #tpu.memory_space<vmem>>) target_semaphore(%arg16 : memref<!tpu.dma_semaphore, #tpu.memory_space<semaphore_mem>>)
        %dma_wait3A = tpu.memref_slice %arg2[%multiple_of3A, %mul3A_77] : memref<200x100000xf32, #tpu.memory_space<hbm>> -> memref<8x6272xf32, #tpu.memory_space<hbm>>
        %dma_wait3A_79 = tpu.memref_slice %arg2[%multiple_of3A, %mul3A_77] : memref<200x100000xf32, #tpu.memory_space<hbm>> -> memref<8x6272xf32, #tpu.memory_space<hbm>>
        tpu.wait_dma2 semaphore(%arg16 : memref<!tpu.dma_semaphore, #tpu.memory_space<semaphore_mem>>) src(%dma_wait3A_79 : memref<8x6272xf32, #tpu.memory_space<hbm>>) dst(%arg12 : memref<8x6272xf32, #tpu.memory_space<vmem>>)
        "tpu.region"() ({
          %run_scoped3A = tpu.sem_alloc : memref<!tpu.dma_semaphore, #tpu.memory_space<semaphore_mem>>
          %dma_start3A_80 = arith.constant 0 : i32
          %dma_start3A_81 = tpu.memref_slice %arg12[%sub3A_26, %dma_start3A_80] : memref<8x6272xf32, #tpu.memory_space<vmem>> -> memref<1x6272xf32, #tpu.memory_space<vmem>>
          %dma_start3A_82 = tpu.memref_squeeze %dma_start3A_81 : memref<1x6272xf32, #tpu.memory_space<vmem>> -> memref<6272xf32, #tpu.memory_space<vmem>>
          %dma_start3A_83 = tpu.memref_slice %arg7[%mul3A_77] : memref<100000xf32, #tpu.memory_space<hbm>> -> memref<6272xf32, #tpu.memory_space<hbm>>
          %dma_start3A_84 = tpu.memref_slice %arg7[%mul3A_77] : memref<100000xf32, #tpu.memory_space<hbm>> -> memref<6272xf32, #tpu.memory_space<hbm>>
          %dma_start3A_85 = arith.constant 0 : i32
          %dma_start3A_86 = tpu.memref_slice %arg12[%sub3A_26, %dma_start3A_85] : memref<8x6272xf32, #tpu.memory_space<vmem>> -> memref<1x6272xf32, #tpu.memory_space<vmem>>
          %dma_start3A_87 = tpu.memref_squeeze %dma_start3A_86 : memref<1x6272xf32, #tpu.memory_space<vmem>> -> memref<6272xf32, #tpu.memory_space<vmem>>
          tpu.enqueue_dma source(%dma_start3A_87 : memref<6272xf32, #tpu.memory_space<vmem>>) target(%dma_start3A_84 : memref<6272xf32, #tpu.memory_space<hbm>>) target_semaphore(%run_scoped3A : memref<!tpu.dma_semaphore, #tpu.memory_space<semaphore_mem>>)
          %dma_wait3A_88 = arith.constant 0 : i32
          %dma_wait3A_89 = tpu.memref_slice %arg12[%sub3A_26, %dma_wait3A_88] : memref<8x6272xf32, #tpu.memory_space<vmem>> -> memref<1x6272xf32, #tpu.memory_space<vmem>>
          %dma_wait3A_90 = tpu.memref_squeeze %dma_wait3A_89 : memref<1x6272xf32, #tpu.memory_space<vmem>> -> memref<6272xf32, #tpu.memory_space<vmem>>
          %dma_wait3A_91 = tpu.memref_slice %arg7[%mul3A_77] : memref<100000xf32, #tpu.memory_space<hbm>> -> memref<6272xf32, #tpu.memory_space<hbm>>
          %dma_wait3A_92 = tpu.memref_slice %arg7[%mul3A_77] : memref<100000xf32, #tpu.memory_space<hbm>> -> memref<6272xf32, #tpu.memory_space<hbm>>
          %dma_wait3A_93 = arith.constant 0 : i32
          %dma_wait3A_94 = tpu.memref_slice %arg12[%sub3A_26, %dma_wait3A_93] : memref<8x6272xf32, #tpu.memory_space<vmem>> -> memref<1x6272xf32, #tpu.memory_space<vmem>>
          %dma_wait3A_95 = tpu.memref_squeeze %dma_wait3A_94 : memref<1x6272xf32, #tpu.memory_space<vmem>> -> memref<6272xf32, #tpu.memory_space<vmem>>
          tpu.wait_dma2 semaphore(%run_scoped3A : memref<!tpu.dma_semaphore, #tpu.memory_space<semaphore_mem>>) src(%dma_wait3A_95 : memref<6272xf32, #tpu.memory_space<vmem>>) dst(%dma_wait3A_92 : memref<6272xf32, #tpu.memory_space<hbm>>)
          tpu.yield
        }) : () -> ()
      } else {
      }
      %eq3A_71 = arith.constant 15 : i32
      %eq3A_72 = arith.cmpi eq, %arg1, %eq3A_71 : i32
      %convert_element_type3A_73 = arith.extui %eq3A_72 : i1 to i32
      %cond3A_74 = arith.constant 0 : i32
      %cond3A_75 = arith.cmpi ne, %convert_element_type3A_73, %cond3A_74 : i32
      scf.if %cond3A_75 {
        %dma_start3A = arith.constant 0 : i32
        %dma_start3A_76 = arith.constant 0 : i32
        %dma_start3A_77 = tpu.memref_slice %arg12[%dma_start3A, %dma_start3A_76] : memref<8x6272xf32, #tpu.memory_space<vmem>> -> memref<8x5888xf32, #tpu.memory_space<vmem>>
        %dma_start3A_78 = arith.constant 94080 : i32
        %dma_start3A_79 = tpu.memref_slice %arg2[%multiple_of3A, %dma_start3A_78] : memref<200x100000xf32, #tpu.memory_space<hbm>> -> memref<8x5888xf32, #tpu.memory_space<hbm>>
        %dma_start3A_80 = arith.constant 0 : i32
        %dma_start3A_81 = arith.constant 0 : i32
        %dma_start3A_82 = tpu.memref_slice %arg12[%dma_start3A_80, %dma_start3A_81] : memref<8x6272xf32, #tpu.memory_space<vmem>> -> memref<8x5888xf32, #tpu.memory_space<vmem>>
        %dma_start3A_83 = arith.constant 94080 : i32
        %dma_start3A_84 = tpu.memref_slice %arg2[%multiple_of3A, %dma_start3A_83] : memref<200x100000xf32, #tpu.memory_space<hbm>> -> memref<8x5888xf32, #tpu.memory_space<hbm>>
        tpu.enqueue_dma source(%dma_start3A_84 : memref<8x5888xf32, #tpu.memory_space<hbm>>) target(%dma_start3A_82 : memref<8x5888xf32, #tpu.memory_space<vmem>>) target_semaphore(%arg16 : memref<!tpu.dma_semaphore, #tpu.memory_space<semaphore_mem>>)
        %dma_wait3A = arith.constant 0 : i32
        %dma_wait3A_85 = arith.constant 0 : i32
        %dma_wait3A_86 = tpu.memref_slice %arg12[%dma_wait3A, %dma_wait3A_85] : memref<8x6272xf32, #tpu.memory_space<vmem>> -> memref<8x5888xf32, #tpu.memory_space<vmem>>
        %dma_wait3A_87 = arith.constant 94080 : i32
        %dma_wait3A_88 = tpu.memref_slice %arg2[%multiple_of3A, %dma_wait3A_87] : memref<200x100000xf32, #tpu.memory_space<hbm>> -> memref<8x5888xf32, #tpu.memory_space<hbm>>
        %dma_wait3A_89 = arith.constant 0 : i32
        %dma_wait3A_90 = arith.constant 0 : i32
        %dma_wait3A_91 = tpu.memref_slice %arg12[%dma_wait3A_89, %dma_wait3A_90] : memref<8x6272xf32, #tpu.memory_space<vmem>> -> memref<8x5888xf32, #tpu.memory_space<vmem>>
        %dma_wait3A_92 = arith.constant 94080 : i32
        %dma_wait3A_93 = tpu.memref_slice %arg2[%multiple_of3A, %dma_wait3A_92] : memref<200x100000xf32, #tpu.memory_space<hbm>> -> memref<8x5888xf32, #tpu.memory_space<hbm>>
        tpu.wait_dma2 semaphore(%arg16 : memref<!tpu.dma_semaphore, #tpu.memory_space<semaphore_mem>>) src(%dma_wait3A_93 : memref<8x5888xf32, #tpu.memory_space<hbm>>) dst(%dma_wait3A_91 : memref<8x5888xf32, #tpu.memory_space<vmem>>)
        "tpu.region"() ({
          %run_scoped3A = tpu.sem_alloc : memref<!tpu.dma_semaphore, #tpu.memory_space<semaphore_mem>>
          %dma_start3A_94 = arith.constant 0 : i32
          %dma_start3A_95 = tpu.memref_slice %arg12[%sub3A_26, %dma_start3A_94] : memref<8x6272xf32, #tpu.memory_space<vmem>> -> memref<1x5888xf32, #tpu.memory_space<vmem>>
          %dma_start3A_96 = tpu.memref_squeeze %dma_start3A_95 : memref<1x5888xf32, #tpu.memory_space<vmem>> -> memref<5888xf32, #tpu.memory_space<vmem>>
          %dma_start3A_97 = arith.constant 94080 : i32
          %dma_start3A_98 = tpu.memref_slice %arg7[%dma_start3A_97] : memref<100000xf32, #tpu.memory_space<hbm>> -> memref<5888xf32, #tpu.memory_space<hbm>>
          %dma_start3A_99 = arith.constant 94080 : i32
          %dma_start3A_100 = tpu.memref_slice %arg7[%dma_start3A_99] : memref<100000xf32, #tpu.memory_space<hbm>> -> memref<5888xf32, #tpu.memory_space<hbm>>
          %dma_start3A_101 = arith.constant 0 : i32
          %dma_start3A_102 = tpu.memref_slice %arg12[%sub3A_26, %dma_start3A_101] : memref<8x6272xf32, #tpu.memory_space<vmem>> -> memref<1x5888xf32, #tpu.memory_space<vmem>>
          %dma_start3A_103 = tpu.memref_squeeze %dma_start3A_102 : memref<1x5888xf32, #tpu.memory_space<vmem>> -> memref<5888xf32, #tpu.memory_space<vmem>>
          tpu.enqueue_dma source(%dma_start3A_103 : memref<5888xf32, #tpu.memory_space<vmem>>) target(%dma_start3A_100 : memref<5888xf32, #tpu.memory_space<hbm>>) target_semaphore(%run_scoped3A : memref<!tpu.dma_semaphore, #tpu.memory_space<semaphore_mem>>)
          %dma_wait3A_104 = arith.constant 0 : i32
          %dma_wait3A_105 = tpu.memref_slice %arg12[%sub3A_26, %dma_wait3A_104] : memref<8x6272xf32, #tpu.memory_space<vmem>> -> memref<1x5888xf32, #tpu.memory_space<vmem>>
          %dma_wait3A_106 = tpu.memref_squeeze %dma_wait3A_105 : memref<1x5888xf32, #tpu.memory_space<vmem>> -> memref<5888xf32, #tpu.memory_space<vmem>>
          %dma_wait3A_107 = arith.constant 94080 : i32
          %dma_wait3A_108 = tpu.memref_slice %arg7[%dma_wait3A_107] : memref<100000xf32, #tpu.memory_space<hbm>> -> memref<5888xf32, #tpu.memory_space<hbm>>
          %dma_wait3A_109 = arith.constant 94080 : i32
          %dma_wait3A_110 = tpu.memref_slice %arg7[%dma_wait3A_109] : memref<100000xf32, #tpu.memory_space<hbm>> -> memref<5888xf32, #tpu.memory_space<hbm>>
          %dma_wait3A_111 = arith.constant 0 : i32
          %dma_wait3A_112 = tpu.memref_slice %arg12[%sub3A_26, %dma_wait3A_111] : memref<8x6272xf32, #tpu.memory_space<vmem>> -> memref<1x5888xf32, #tpu.memory_space<vmem>>
          %dma_wait3A_113 = tpu.memref_squeeze %dma_wait3A_112 : memref<1x5888xf32, #tpu.memory_space<vmem>> -> memref<5888xf32, #tpu.memory_space<vmem>>
          tpu.wait_dma2 semaphore(%run_scoped3A : memref<!tpu.dma_semaphore, #tpu.memory_space<semaphore_mem>>) src(%dma_wait3A_113 : memref<5888xf32, #tpu.memory_space<vmem>>) dst(%dma_wait3A_110 : memref<5888xf32, #tpu.memory_space<hbm>>)
          tpu.yield
        }) : () -> ()
      } else {
      }
    } else {
    }
    %eq3A_29 = arith.constant 1 : i32
    %eq3A_30 = arith.cmpi eq, %arg0, %eq3A_29 : i32
    %convert_element_type3A_31 = arith.extui %eq3A_30 : i1 to i32
    %cond3A_32 = arith.constant 0 : i32
    %cond3A_33 = arith.cmpi ne, %convert_element_type3A_31, %cond3A_32 : i32
    scf.if %cond3A_33 {
      %lt3A_66 = arith.constant 15 : i32
      %lt3A_67 = arith.cmpi slt, %arg1, %lt3A_66 : i32
      %convert_element_type3A_68 = arith.extui %lt3A_67 : i1 to i32
      %cond3A_69 = arith.constant 0 : i32
      %cond3A_70 = arith.cmpi ne, %convert_element_type3A_68, %cond3A_69 : i32
      scf.if %cond3A_70 {
        %mul3A_76 = arith.constant 6272 : i32
        %mul3A_77 = arith.muli %arg1, %mul3A_76 : i32
        %dma_start3A = tpu.memref_slice %arg3[%multiple_of3A, %mul3A_77] : memref<200x100000xf32, #tpu.memory_space<hbm>> -> memref<8x6272xf32, #tpu.memory_space<hbm>>
        %dma_start3A_78 = tpu.memref_slice %arg3[%multiple_of3A, %mul3A_77] : memref<200x100000xf32, #tpu.memory_space<hbm>> -> memref<8x6272xf32, #tpu.memory_space<hbm>>
        tpu.enqueue_dma source(%dma_start3A_78 : memref<8x6272xf32, #tpu.memory_space<hbm>>) target(%arg12 : memref<8x6272xf32, #tpu.memory_space<vmem>>) target_semaphore(%arg16 : memref<!tpu.dma_semaphore, #tpu.memory_space<semaphore_mem>>)
        %dma_wait3A = tpu.memref_slice %arg3[%multiple_of3A, %mul3A_77] : memref<200x100000xf32, #tpu.memory_space<hbm>> -> memref<8x6272xf32, #tpu.memory_space<hbm>>
        %dma_wait3A_79 = tpu.memref_slice %arg3[%multiple_of3A, %mul3A_77] : memref<200x100000xf32, #tpu.memory_space<hbm>> -> memref<8x6272xf32, #tpu.memory_space<hbm>>
        tpu.wait_dma2 semaphore(%arg16 : memref<!tpu.dma_semaphore, #tpu.memory_space<semaphore_mem>>) src(%dma_wait3A_79 : memref<8x6272xf32, #tpu.memory_space<hbm>>) dst(%arg12 : memref<8x6272xf32, #tpu.memory_space<vmem>>)
        "tpu.region"() ({
          %run_scoped3A = tpu.sem_alloc : memref<!tpu.dma_semaphore, #tpu.memory_space<semaphore_mem>>
          %dma_start3A_80 = arith.constant 0 : i32
          %dma_start3A_81 = tpu.memref_slice %arg12[%sub3A_26, %dma_start3A_80] : memref<8x6272xf32, #tpu.memory_space<vmem>> -> memref<1x6272xf32, #tpu.memory_space<vmem>>
          %dma_start3A_82 = tpu.memref_squeeze %dma_start3A_81 : memref<1x6272xf32, #tpu.memory_space<vmem>> -> memref<6272xf32, #tpu.memory_space<vmem>>
          %dma_start3A_83 = tpu.memref_slice %arg8[%mul3A_77] : memref<100000xf32, #tpu.memory_space<hbm>> -> memref<6272xf32, #tpu.memory_space<hbm>>
          %dma_start3A_84 = tpu.memref_slice %arg8[%mul3A_77] : memref<100000xf32, #tpu.memory_space<hbm>> -> memref<6272xf32, #tpu.memory_space<hbm>>
          %dma_start3A_85 = arith.constant 0 : i32
          %dma_start3A_86 = tpu.memref_slice %arg12[%sub3A_26, %dma_start3A_85] : memref<8x6272xf32, #tpu.memory_space<vmem>> -> memref<1x6272xf32, #tpu.memory_space<vmem>>
          %dma_start3A_87 = tpu.memref_squeeze %dma_start3A_86 : memref<1x6272xf32, #tpu.memory_space<vmem>> -> memref<6272xf32, #tpu.memory_space<vmem>>
          tpu.enqueue_dma source(%dma_start3A_87 : memref<6272xf32, #tpu.memory_space<vmem>>) target(%dma_start3A_84 : memref<6272xf32, #tpu.memory_space<hbm>>) target_semaphore(%run_scoped3A : memref<!tpu.dma_semaphore, #tpu.memory_space<semaphore_mem>>)
          %dma_wait3A_88 = arith.constant 0 : i32
          %dma_wait3A_89 = tpu.memref_slice %arg12[%sub3A_26, %dma_wait3A_88] : memref<8x6272xf32, #tpu.memory_space<vmem>> -> memref<1x6272xf32, #tpu.memory_space<vmem>>
          %dma_wait3A_90 = tpu.memref_squeeze %dma_wait3A_89 : memref<1x6272xf32, #tpu.memory_space<vmem>> -> memref<6272xf32, #tpu.memory_space<vmem>>
          %dma_wait3A_91 = tpu.memref_slice %arg8[%mul3A_77] : memref<100000xf32, #tpu.memory_space<hbm>> -> memref<6272xf32, #tpu.memory_space<hbm>>
          %dma_wait3A_92 = tpu.memref_slice %arg8[%mul3A_77] : memref<100000xf32, #tpu.memory_space<hbm>> -> memref<6272xf32, #tpu.memory_space<hbm>>
          %dma_wait3A_93 = arith.constant 0 : i32
          %dma_wait3A_94 = tpu.memref_slice %arg12[%sub3A_26, %dma_wait3A_93] : memref<8x6272xf32, #tpu.memory_space<vmem>> -> memref<1x6272xf32, #tpu.memory_space<vmem>>
          %dma_wait3A_95 = tpu.memref_squeeze %dma_wait3A_94 : memref<1x6272xf32, #tpu.memory_space<vmem>> -> memref<6272xf32, #tpu.memory_space<vmem>>
          tpu.wait_dma2 semaphore(%run_scoped3A : memref<!tpu.dma_semaphore, #tpu.memory_space<semaphore_mem>>) src(%dma_wait3A_95 : memref<6272xf32, #tpu.memory_space<vmem>>) dst(%dma_wait3A_92 : memref<6272xf32, #tpu.memory_space<hbm>>)
          tpu.yield
        }) : () -> ()
      } else {
      }
      %eq3A_71 = arith.constant 15 : i32
      %eq3A_72 = arith.cmpi eq, %arg1, %eq3A_71 : i32
      %convert_element_type3A_73 = arith.extui %eq3A_72 : i1 to i32
      %cond3A_74 = arith.constant 0 : i32
      %cond3A_75 = arith.cmpi ne, %convert_element_type3A_73, %cond3A_74 : i32
      scf.if %cond3A_75 {
        %dma_start3A = arith.constant 0 : i32
        %dma_start3A_76 = arith.constant 0 : i32
        %dma_start3A_77 = tpu.memref_slice %arg12[%dma_start3A, %dma_start3A_76] : memref<8x6272xf32, #tpu.memory_space<vmem>> -> memref<8x5888xf32, #tpu.memory_space<vmem>>
        %dma_start3A_78 = arith.constant 94080 : i32
        %dma_start3A_79 = tpu.memref_slice %arg3[%multiple_of3A, %dma_start3A_78] : memref<200x100000xf32, #tpu.memory_space<hbm>> -> memref<8x5888xf32, #tpu.memory_space<hbm>>
        %dma_start3A_80 = arith.constant 0 : i32
        %dma_start3A_81 = arith.constant 0 : i32
        %dma_start3A_82 = tpu.memref_slice %arg12[%dma_start3A_80, %dma_start3A_81] : memref<8x6272xf32, #tpu.memory_space<vmem>> -> memref<8x5888xf32, #tpu.memory_space<vmem>>
        %dma_start3A_83 = arith.constant 94080 : i32
        %dma_start3A_84 = tpu.memref_slice %arg3[%multiple_of3A, %dma_start3A_83] : memref<200x100000xf32, #tpu.memory_space<hbm>> -> memref<8x5888xf32, #tpu.memory_space<hbm>>
        tpu.enqueue_dma source(%dma_start3A_84 : memref<8x5888xf32, #tpu.memory_space<hbm>>) target(%dma_start3A_82 : memref<8x5888xf32, #tpu.memory_space<vmem>>) target_semaphore(%arg16 : memref<!tpu.dma_semaphore, #tpu.memory_space<semaphore_mem>>)
        %dma_wait3A = arith.constant 0 : i32
        %dma_wait3A_85 = arith.constant 0 : i32
        %dma_wait3A_86 = tpu.memref_slice %arg12[%dma_wait3A, %dma_wait3A_85] : memref<8x6272xf32, #tpu.memory_space<vmem>> -> memref<8x5888xf32, #tpu.memory_space<vmem>>
        %dma_wait3A_87 = arith.constant 94080 : i32
        %dma_wait3A_88 = tpu.memref_slice %arg3[%multiple_of3A, %dma_wait3A_87] : memref<200x100000xf32, #tpu.memory_space<hbm>> -> memref<8x5888xf32, #tpu.memory_space<hbm>>
        %dma_wait3A_89 = arith.constant 0 : i32
        %dma_wait3A_90 = arith.constant 0 : i32
        %dma_wait3A_91 = tpu.memref_slice %arg12[%dma_wait3A_89, %dma_wait3A_90] : memref<8x6272xf32, #tpu.memory_space<vmem>> -> memref<8x5888xf32, #tpu.memory_space<vmem>>
        %dma_wait3A_92 = arith.constant 94080 : i32
        %dma_wait3A_93 = tpu.memref_slice %arg3[%multiple_of3A, %dma_wait3A_92] : memref<200x100000xf32, #tpu.memory_space<hbm>> -> memref<8x5888xf32, #tpu.memory_space<hbm>>
        tpu.wait_dma2 semaphore(%arg16 : memref<!tpu.dma_semaphore, #tpu.memory_space<semaphore_mem>>) src(%dma_wait3A_93 : memref<8x5888xf32, #tpu.memory_space<hbm>>) dst(%dma_wait3A_91 : memref<8x5888xf32, #tpu.memory_space<vmem>>)
        "tpu.region"() ({
          %run_scoped3A = tpu.sem_alloc : memref<!tpu.dma_semaphore, #tpu.memory_space<semaphore_mem>>
          %dma_start3A_94 = arith.constant 0 : i32
          %dma_start3A_95 = tpu.memref_slice %arg12[%sub3A_26, %dma_start3A_94] : memref<8x6272xf32, #tpu.memory_space<vmem>> -> memref<1x5888xf32, #tpu.memory_space<vmem>>
          %dma_start3A_96 = tpu.memref_squeeze %dma_start3A_95 : memref<1x5888xf32, #tpu.memory_space<vmem>> -> memref<5888xf32, #tpu.memory_space<vmem>>
          %dma_start3A_97 = arith.constant 94080 : i32
          %dma_start3A_98 = tpu.memref_slice %arg8[%dma_start3A_97] : memref<100000xf32, #tpu.memory_space<hbm>> -> memref<5888xf32, #tpu.memory_space<hbm>>
          %dma_start3A_99 = arith.constant 94080 : i32
          %dma_start3A_100 = tpu.memref_slice %arg8[%dma_start3A_99] : memref<100000xf32, #tpu.memory_space<hbm>> -> memref<5888xf32, #tpu.memory_space<hbm>>
          %dma_start3A_101 = arith.constant 0 : i32
          %dma_start3A_102 = tpu.memref_slice %arg12[%sub3A_26, %dma_start3A_101] : memref<8x6272xf32, #tpu.memory_space<vmem>> -> memref<1x5888xf32, #tpu.memory_space<vmem>>
          %dma_start3A_103 = tpu.memref_squeeze %dma_start3A_102 : memref<1x5888xf32, #tpu.memory_space<vmem>> -> memref<5888xf32, #tpu.memory_space<vmem>>
          tpu.enqueue_dma source(%dma_start3A_103 : memref<5888xf32, #tpu.memory_space<vmem>>) target(%dma_start3A_100 : memref<5888xf32, #tpu.memory_space<hbm>>) target_semaphore(%run_scoped3A : memref<!tpu.dma_semaphore, #tpu.memory_space<semaphore_mem>>)
          %dma_wait3A_104 = arith.constant 0 : i32
          %dma_wait3A_105 = tpu.memref_slice %arg12[%sub3A_26, %dma_wait3A_104] : memref<8x6272xf32, #tpu.memory_space<vmem>> -> memref<1x5888xf32, #tpu.memory_space<vmem>>
          %dma_wait3A_106 = tpu.memref_squeeze %dma_wait3A_105 : memref<1x5888xf32, #tpu.memory_space<vmem>> -> memref<5888xf32, #tpu.memory_space<vmem>>
          %dma_wait3A_107 = arith.constant 94080 : i32
          %dma_wait3A_108 = tpu.memref_slice %arg8[%dma_wait3A_107] : memref<100000xf32, #tpu.memory_space<hbm>> -> memref<5888xf32, #tpu.memory_space<hbm>>
          %dma_wait3A_109 = arith.constant 94080 : i32
          %dma_wait3A_110 = tpu.memref_slice %arg8[%dma_wait3A_109] : memref<100000xf32, #tpu.memory_space<hbm>> -> memref<5888xf32, #tpu.memory_space<hbm>>
          %dma_wait3A_111 = arith.constant 0 : i32
          %dma_wait3A_112 = tpu.memref_slice %arg12[%sub3A_26, %dma_wait3A_111] : memref<8x6272xf32, #tpu.memory_space<vmem>> -> memref<1x5888xf32, #tpu.memory_space<vmem>>
          %dma_wait3A_113 = tpu.memref_squeeze %dma_wait3A_112 : memref<1x5888xf32, #tpu.memory_space<vmem>> -> memref<5888xf32, #tpu.memory_space<vmem>>
          tpu.wait_dma2 semaphore(%run_scoped3A : memref<!tpu.dma_semaphore, #tpu.memory_space<semaphore_mem>>) src(%dma_wait3A_113 : memref<5888xf32, #tpu.memory_space<vmem>>) dst(%dma_wait3A_110 : memref<5888xf32, #tpu.memory_space<hbm>>)
          tpu.yield
        }) : () -> ()
      } else {
      }
    } else {
    }
    %eq3A_34 = arith.constant 0 : i32
    %eq3A_35 = arith.cmpi eq, %arg1, %eq3A_34 : i32
    %eq3A_36 = arith.constant 0 : i32
    %eq3A_37 = arith.cmpi eq, %arg0, %eq3A_36 : i32
    %and3A_38 = arith.andi %eq3A_35, %eq3A_37 : i1
    %convert_element_type3A_39 = arith.extui %and3A_38 : i1 to i32
    %cond3A_40 = arith.constant 0 : i32
    %cond3A_41 = arith.cmpi ne, %convert_element_type3A_39, %cond3A_40 : i32
    scf.if %cond3A_41 {
      %dma_start3A = arith.constant 0 : i32
      %dma_start3A_66 = tpu.memref_slice %arg4[%select_n3A, %dma_start3A] : memref<200x200xf32, #tpu.memory_space<hbm>> -> memref<1x200xf32, #tpu.memory_space<hbm>>
      %dma_start3A_67 = tpu.memref_squeeze %dma_start3A_66 : memref<1x200xf32, #tpu.memory_space<hbm>> -> memref<200xf32, #tpu.memory_space<hbm>>
      %dma_start3A_68 = arith.constant 0 : i32
      %dma_start3A_69 = tpu.memref_slice %arg4[%select_n3A, %dma_start3A_68] : memref<200x200xf32, #tpu.memory_space<hbm>> -> memref<1x200xf32, #tpu.memory_space<hbm>>
      %dma_start3A_70 = tpu.memref_squeeze %dma_start3A_69 : memref<1x200xf32, #tpu.memory_space<hbm>> -> memref<200xf32, #tpu.memory_space<hbm>>
      tpu.enqueue_dma source(%dma_start3A_70 : memref<200xf32, #tpu.memory_space<hbm>>) target(%arg13 : memref<200xf32, #tpu.memory_space<vmem>>) target_semaphore(%arg16 : memref<!tpu.dma_semaphore, #tpu.memory_space<semaphore_mem>>)
      %dma_wait3A = arith.constant 0 : i32
      %dma_wait3A_71 = tpu.memref_slice %arg4[%select_n3A, %dma_wait3A] : memref<200x200xf32, #tpu.memory_space<hbm>> -> memref<1x200xf32, #tpu.memory_space<hbm>>
      %dma_wait3A_72 = tpu.memref_squeeze %dma_wait3A_71 : memref<1x200xf32, #tpu.memory_space<hbm>> -> memref<200xf32, #tpu.memory_space<hbm>>
      %dma_wait3A_73 = arith.constant 0 : i32
      %dma_wait3A_74 = tpu.memref_slice %arg4[%select_n3A, %dma_wait3A_73] : memref<200x200xf32, #tpu.memory_space<hbm>> -> memref<1x200xf32, #tpu.memory_space<hbm>>
      %dma_wait3A_75 = tpu.memref_squeeze %dma_wait3A_74 : memref<1x200xf32, #tpu.memory_space<hbm>> -> memref<200xf32, #tpu.memory_space<hbm>>
      tpu.wait_dma2 semaphore(%arg16 : memref<!tpu.dma_semaphore, #tpu.memory_space<semaphore_mem>>) src(%dma_wait3A_75 : memref<200xf32, #tpu.memory_space<hbm>>) dst(%arg13 : memref<200xf32, #tpu.memory_space<vmem>>)
      "tpu.region"() ({
        %run_scoped3A = tpu.sem_alloc : memref<!tpu.dma_semaphore, #tpu.memory_space<semaphore_mem>>
        tpu.enqueue_dma source(%arg13 : memref<200xf32, #tpu.memory_space<vmem>>) target(%arg9 : memref<200xf32, #tpu.memory_space<hbm>>) target_semaphore(%run_scoped3A : memref<!tpu.dma_semaphore, #tpu.memory_space<semaphore_mem>>)
        tpu.wait_dma2 semaphore(%run_scoped3A : memref<!tpu.dma_semaphore, #tpu.memory_space<semaphore_mem>>) src(%arg13 : memref<200xf32, #tpu.memory_space<vmem>>) dst(%arg9 : memref<200xf32, #tpu.memory_space<hbm>>)
        tpu.yield
      }) : () -> ()
    } else {
    }
    %eq3A_42 = arith.constant 0 : i32
    %eq3A_43 = arith.cmpi eq, %arg1, %eq3A_42 : i32
    %eq3A_44 = arith.constant 1 : i32
    %eq3A_45 = arith.cmpi eq, %arg0, %eq3A_44 : i32
    %and3A_46 = arith.andi %eq3A_43, %eq3A_45 : i1
    %convert_element_type3A_47 = arith.extui %and3A_46 : i1 to i32
    %cond3A_48 = arith.constant 0 : i32
    %cond3A_49 = arith.cmpi ne, %convert_element_type3A_47, %cond3A_48 : i32
    scf.if %cond3A_49 {
      %dma_start3A = arith.constant 0 : i32
      %dma_start3A_66 = tpu.memref_slice %arg5[%select_n3A, %dma_start3A] : memref<400x32xf32, #tpu.memory_space<hbm>> -> memref<1x32xf32, #tpu.memory_space<hbm>>
      %dma_start3A_67 = tpu.memref_squeeze %dma_start3A_66 : memref<1x32xf32, #tpu.memory_space<hbm>> -> memref<32xf32, #tpu.memory_space<hbm>>
      %dma_start3A_68 = arith.constant 0 : i32
      %dma_start3A_69 = tpu.memref_slice %arg5[%select_n3A, %dma_start3A_68] : memref<400x32xf32, #tpu.memory_space<hbm>> -> memref<1x32xf32, #tpu.memory_space<hbm>>
      %dma_start3A_70 = tpu.memref_squeeze %dma_start3A_69 : memref<1x32xf32, #tpu.memory_space<hbm>> -> memref<32xf32, #tpu.memory_space<hbm>>
      tpu.enqueue_dma source(%dma_start3A_70 : memref<32xf32, #tpu.memory_space<hbm>>) target(%arg14 : memref<32xf32, #tpu.memory_space<vmem>>) target_semaphore(%arg16 : memref<!tpu.dma_semaphore, #tpu.memory_space<semaphore_mem>>)
      %dma_wait3A = arith.constant 0 : i32
      %dma_wait3A_71 = tpu.memref_slice %arg5[%select_n3A, %dma_wait3A] : memref<400x32xf32, #tpu.memory_space<hbm>> -> memref<1x32xf32, #tpu.memory_space<hbm>>
      %dma_wait3A_72 = tpu.memref_squeeze %dma_wait3A_71 : memref<1x32xf32, #tpu.memory_space<hbm>> -> memref<32xf32, #tpu.memory_space<hbm>>
      %dma_wait3A_73 = arith.constant 0 : i32
      %dma_wait3A_74 = tpu.memref_slice %arg5[%select_n3A, %dma_wait3A_73] : memref<400x32xf32, #tpu.memory_space<hbm>> -> memref<1x32xf32, #tpu.memory_space<hbm>>
      %dma_wait3A_75 = tpu.memref_squeeze %dma_wait3A_74 : memref<1x32xf32, #tpu.memory_space<hbm>> -> memref<32xf32, #tpu.memory_space<hbm>>
      tpu.wait_dma2 semaphore(%arg16 : memref<!tpu.dma_semaphore, #tpu.memory_space<semaphore_mem>>) src(%dma_wait3A_75 : memref<32xf32, #tpu.memory_space<hbm>>) dst(%arg14 : memref<32xf32, #tpu.memory_space<vmem>>)
      "tpu.region"() ({
        %run_scoped3A = tpu.sem_alloc : memref<!tpu.dma_semaphore, #tpu.memory_space<semaphore_mem>>
        %dma_start3A_76 = arith.constant 99968 : i32
        %dma_start3A_77 = tpu.memref_slice %arg7[%dma_start3A_76] : memref<100000xf32, #tpu.memory_space<hbm>> -> memref<32xf32, #tpu.memory_space<hbm>>
        %dma_start3A_78 = arith.constant 99968 : i32
        %dma_start3A_79 = tpu.memref_slice %arg7[%dma_start3A_78] : memref<100000xf32, #tpu.memory_space<hbm>> -> memref<32xf32, #tpu.memory_space<hbm>>
        tpu.enqueue_dma source(%arg14 : memref<32xf32, #tpu.memory_space<vmem>>) target(%dma_start3A_79 : memref<32xf32, #tpu.memory_space<hbm>>) target_semaphore(%run_scoped3A : memref<!tpu.dma_semaphore, #tpu.memory_space<semaphore_mem>>)
        %dma_wait3A_80 = arith.constant 99968 : i32
        %dma_wait3A_81 = tpu.memref_slice %arg7[%dma_wait3A_80] : memref<100000xf32, #tpu.memory_space<hbm>> -> memref<32xf32, #tpu.memory_space<hbm>>
        %dma_wait3A_82 = arith.constant 99968 : i32
        %dma_wait3A_83 = tpu.memref_slice %arg7[%dma_wait3A_82] : memref<100000xf32, #tpu.memory_space<hbm>> -> memref<32xf32, #tpu.memory_space<hbm>>
        tpu.wait_dma2 semaphore(%run_scoped3A : memref<!tpu.dma_semaphore, #tpu.memory_space<semaphore_mem>>) src(%arg14 : memref<32xf32, #tpu.memory_space<vmem>>) dst(%dma_wait3A_83 : memref<32xf32, #tpu.memory_space<hbm>>)
        tpu.yield
      }) : () -> ()
    } else {
    }
    %eq3A_50 = arith.constant 1 : i32
    %eq3A_51 = arith.cmpi eq, %arg1, %eq3A_50 : i32
    %eq3A_52 = arith.constant 1 : i32
    %eq3A_53 = arith.cmpi eq, %arg0, %eq3A_52 : i32
    %and3A_54 = arith.andi %eq3A_51, %eq3A_53 : i1
    %convert_element_type3A_55 = arith.extui %and3A_54 : i1 to i32
    %cond3A_56 = arith.constant 0 : i32
    %cond3A_57 = arith.cmpi ne, %convert_element_type3A_55, %cond3A_56 : i32
    scf.if %cond3A_57 {
      %add3A_66 = arith.constant 200 : i32
      %add3A_67 = arith.addi %add3A_66, %select_n3A : i32
      %dma_start3A = arith.constant 0 : i32
      %dma_start3A_68 = tpu.memref_slice %arg5[%add3A_67, %dma_start3A] : memref<400x32xf32, #tpu.memory_space<hbm>> -> memref<1x32xf32, #tpu.memory_space<hbm>>
      %dma_start3A_69 = tpu.memref_squeeze %dma_start3A_68 : memref<1x32xf32, #tpu.memory_space<hbm>> -> memref<32xf32, #tpu.memory_space<hbm>>
      %dma_start3A_70 = arith.constant 0 : i32
      %dma_start3A_71 = tpu.memref_slice %arg5[%add3A_67, %dma_start3A_70] : memref<400x32xf32, #tpu.memory_space<hbm>> -> memref<1x32xf32, #tpu.memory_space<hbm>>
      %dma_start3A_72 = tpu.memref_squeeze %dma_start3A_71 : memref<1x32xf32, #tpu.memory_space<hbm>> -> memref<32xf32, #tpu.memory_space<hbm>>
      tpu.enqueue_dma source(%dma_start3A_72 : memref<32xf32, #tpu.memory_space<hbm>>) target(%arg14 : memref<32xf32, #tpu.memory_space<vmem>>) target_semaphore(%arg16 : memref<!tpu.dma_semaphore, #tpu.memory_space<semaphore_mem>>)
      %dma_wait3A = arith.constant 0 : i32
      %dma_wait3A_73 = tpu.memref_slice %arg5[%add3A_67, %dma_wait3A] : memref<400x32xf32, #tpu.memory_space<hbm>> -> memref<1x32xf32, #tpu.memory_space<hbm>>
      %dma_wait3A_74 = tpu.memref_squeeze %dma_wait3A_73 : memref<1x32xf32, #tpu.memory_space<hbm>> -> memref<32xf32, #tpu.memory_space<hbm>>
      %dma_wait3A_75 = arith.constant 0 : i32
      %dma_wait3A_76 = tpu.memref_slice %arg5[%add3A_67, %dma_wait3A_75] : memref<400x32xf32, #tpu.memory_space<hbm>> -> memref<1x32xf32, #tpu.memory_space<hbm>>
      %dma_wait3A_77 = tpu.memref_squeeze %dma_wait3A_76 : memref<1x32xf32, #tpu.memory_space<hbm>> -> memref<32xf32, #tpu.memory_space<hbm>>
      tpu.wait_dma2 semaphore(%arg16 : memref<!tpu.dma_semaphore, #tpu.memory_space<semaphore_mem>>) src(%dma_wait3A_77 : memref<32xf32, #tpu.memory_space<hbm>>) dst(%arg14 : memref<32xf32, #tpu.memory_space<vmem>>)
      "tpu.region"() ({
        %run_scoped3A = tpu.sem_alloc : memref<!tpu.dma_semaphore, #tpu.memory_space<semaphore_mem>>
        %dma_start3A_78 = arith.constant 99968 : i32
        %dma_start3A_79 = tpu.memref_slice %arg8[%dma_start3A_78] : memref<100000xf32, #tpu.memory_space<hbm>> -> memref<32xf32, #tpu.memory_space<hbm>>
        %dma_start3A_80 = arith.constant 99968 : i32
        %dma_start3A_81 = tpu.memref_slice %arg8[%dma_start3A_80] : memref<100000xf32, #tpu.memory_space<hbm>> -> memref<32xf32, #tpu.memory_space<hbm>>
        tpu.enqueue_dma source(%arg14 : memref<32xf32, #tpu.memory_space<vmem>>) target(%dma_start3A_81 : memref<32xf32, #tpu.memory_space<hbm>>) target_semaphore(%run_scoped3A : memref<!tpu.dma_semaphore, #tpu.memory_space<semaphore_mem>>)
        %dma_wait3A_82 = arith.constant 99968 : i32
        %dma_wait3A_83 = tpu.memref_slice %arg8[%dma_wait3A_82] : memref<100000xf32, #tpu.memory_space<hbm>> -> memref<32xf32, #tpu.memory_space<hbm>>
        %dma_wait3A_84 = arith.constant 99968 : i32
        %dma_wait3A_85 = tpu.memref_slice %arg8[%dma_wait3A_84] : memref<100000xf32, #tpu.memory_space<hbm>> -> memref<32xf32, #tpu.memory_space<hbm>>
        tpu.wait_dma2 semaphore(%run_scoped3A : memref<!tpu.dma_semaphore, #tpu.memory_space<semaphore_mem>>) src(%arg14 : memref<32xf32, #tpu.memory_space<vmem>>) dst(%dma_wait3A_85 : memref<32xf32, #tpu.memory_space<hbm>>)
        tpu.yield
      }) : () -> ()
    } else {
    }
    %eq3A_58 = arith.constant 1 : i32
    %eq3A_59 = arith.cmpi eq, %arg1, %eq3A_58 : i32
    %eq3A_60 = arith.constant 0 : i32
    %eq3A_61 = arith.cmpi eq, %arg0, %eq3A_60 : i32
    %and3A_62 = arith.andi %eq3A_59, %eq3A_61 : i1
    %convert_element_type3A_63 = arith.extui %and3A_62 : i1 to i32
    %cond3A_64 = arith.constant 0 : i32
    %cond3A_65 = arith.cmpi ne, %convert_element_type3A_63, %cond3A_64 : i32
    scf.if %cond3A_65 {
      tpu.enqueue_dma source(%arg6 : memref<1024xi32, #tpu.memory_space<hbm>>) target(%arg15 : memref<1024xi32, #tpu.memory_space<vmem>>) target_semaphore(%arg16 : memref<!tpu.dma_semaphore, #tpu.memory_space<semaphore_mem>>)
      tpu.wait_dma2 semaphore(%arg16 : memref<!tpu.dma_semaphore, #tpu.memory_space<semaphore_mem>>) src(%arg6 : memref<1024xi32, #tpu.memory_space<hbm>>) dst(%arg15 : memref<1024xi32, #tpu.memory_space<vmem>>)
      "tpu.region"() ({
        %run_scoped3A = tpu.sem_alloc : memref<!tpu.dma_semaphore, #tpu.memory_space<semaphore_mem>>
        tpu.enqueue_dma source(%arg15 : memref<1024xi32, #tpu.memory_space<vmem>>) target(%arg10 : memref<1024xi32, #tpu.memory_space<hbm>>) target_semaphore(%run_scoped3A : memref<!tpu.dma_semaphore, #tpu.memory_space<semaphore_mem>>)
        tpu.wait_dma2 semaphore(%run_scoped3A : memref<!tpu.dma_semaphore, #tpu.memory_space<semaphore_mem>>) src(%arg15 : memref<1024xi32, #tpu.memory_space<vmem>>) dst(%arg10 : memref<1024xi32, #tpu.memory_space<hbm>>)
        tpu.yield
      }) : () -> ()
    } else {
    }
    return
  }
}

</mosaic_0001>

<sc_bundles>
// kernel: kernel.3.cloned.1.call-start
scs
__scs_entry_jumppad:
0x0: {  	(pc) =	sbr.rel $0x88, $3  }
0x1: {  	(tag) =	ssettag $0x0;
	lr =	simm.s32 $0x1  }
0x2: {  	[smem:$0x3F9D] =	sst lr;
	_ =	strace $0xD0000000  }
0x3: {  	_ = 	snop  }
0x4: {  	_ = 	snop  }
0x5: {  	_ = 	snop  }
0x6: {  	_ = 	snop  }
0x7: {  	_ = 	snop  }
__scs_overlays_trampoline_lowered:
0x8: {  	[smem:$0x3FAC] =	sst s0  }
0x9: {  	[smem:$0x3FAD] =	sst s1  }
0xa: {  	[smem:$0x3FAE] =	sst s2  }
0xb: {  	[smem:$0x3FAF] =	sst s3  }
0xc: {  	[smem:$0x3FB0] =	sst s4  }
0xd: {  	[smem:$0x3FB1] =	sst s5  }
0xe: {  	[smem:$0x3FB2] =	sst s6  }
0xf: {  	[smem:$0x3FB3] =	sst s7  }
0x10: {  	[smem:$0x3FB4] =	sst s8  }
0x11: {  	[smem:$0x3FB5] =	sst s9;
	s0 =	simm.s32 @!p0 $0x0  }
0x12: {  	s1 =	sld [smem:$0x3F9B];
	s0 =	simm.s32 @p0 $0x1  }
0x13: {  	[smem:$0x3FB6] =	sst s0;
	s0 =	simm.s32 @!p1 $0x0  }
0x14: {  	s2 =	sld [smem:$0x3F9A];
	s0 =	simm.s32 @p1 $0x1  }
0x15: {  	[smem:$0x3FB7] =	sst s0;
	s0 =	simm.s32 @!p2 $0x0  }
0x16: {  	s3 =	sld [smem:$0x3FDB];
	s0 =	simm.s32 @p2 $0x1  }
0x17: {  	s4 =	simm.s32 $0x1BF5;
	[smem:$0x3FB9] =	sst s0  }
0x18: {  	s0 =	sld [smem:$0x3F9C];
	_ =	swait.ge [sflag:s4], $0x0  }
0x19: {  	s7 =	sld [smem:$0x3F9D]  }
0x1a: {  	s8 =	sadd.s32 $0xFFFFE003, lr  }
0x1b: {  	s9 =	sadd.s32 $0xFFFFFEF7, lr;
	s5 =	simm.s32 $0xFFFFFFFF;
	p2 =	slt.u32 s8, $0xFFFFF086  }
0x1c: {  	p1 =	slt.u32 s9, $0xF7A;
	s5 =	simm.s32 @!p2 $0x0  }
0x1d: {  	s5 =	simm.s32 @p1 $0x1;
	p0 =	seq.s32 s7, s2  }
0x1e: {  	s7 =	smul.u32 @!p0 $0xF7A, s2;
	p2 =	seq.s32 @!p0 s5, $0x0  }
0x1f: {  	s9 =	smul.u32 $0xF7A, s1;
	s8 =	simm.s32 @!p0 $0x1BF5;
	p2 =	por !p2, p0  }
0x20: {  	[sflag:s8] =	ssyncset.s32 @!p0 $0xFFFFF086;
	s6 =	sadd.s32 @!p0 s3, s7;
	s7 =	simm.s32 @!p0 $0x108  }
0x21: {  	s3 =	sadd.s32 s3, s9;
	s6 =	sadd.s32 @!p0 $0x88, s6;
	s7 =	simm.s32 @p2 $0x1082  }
0x22: {  	[simem:s7], [sflag:s8] =	dma.local @!p0 [hbm:s6], $0xF7A  }
0x23: {  	s9 =	sor.u32 $0xD0000000, s2;
	s6 =	simm.s32 $0x108;
	_ =	swait.ge @!p0 [sflag:s8], $0x0  }
0x24: {  	s3 =	sadd.s32 $0x88, s3;
	s6 =	simm.s32 @!p1 $0x1082;
	[sflag:s4] =	ssyncset.s32 $0xFFFFF086  }
0x25: {  	[simem:s6], [sflag:s4] =	dma.local [hbm:s3], $0xF7A  }
0x26: {  	[smem:$0x3F9D] =	sst s1;
	(tag) =	ssettag s2;
	_ =	strace s9  }
0x27: {  	s1 =	sld [smem:$0x3FAD]  }
0x28: {  	s2 =	sld [smem:$0x3FAE]  }
0x29: {  	s4 =	sld [smem:$0x3FB0]  }
0x2a: {  	p0 =	seq.s32 s5, $0x0;
	s5 =	sld [smem:$0x3FB1]  }
0x2b: {  	s6 =	sld [smem:$0x3FB2]  }
0x2c: {  	s7 =	sld [smem:$0x3FB3]  }
0x2d: {  	s3 =	simm.s32 $0x108;
	s8 =	sld [smem:$0x3FB4]  }
0x2e: {  	s3 =	simm.s32 @!p0 $0x1082;
	s9 =	sld [smem:$0x3FB5]  }
0x2f: {  	lr =	sadd.s32 s0, s3;
	s0 =	sld [smem:$0x3FAC]  }
0x30: {  	s3 =	sld [smem:$0x3FAF]  }
0x31: {  	[smem:$0x3FB8] =	sst s10  }
0x32: {  	s10 =	sld [smem:$0x3FB6];
	_ =	sdelay $0x3  }
0x33: {  	p0 =	seq.s32 s10, $0x1;
	s10 =	sld [smem:$0x3FB8];
	_ =	sdelay $0x3  }
0x34: {  	[smem:$0x3FB8] =	sst s10  }
0x35: {  	s10 =	sld [smem:$0x3FB7];
	_ =	sdelay $0x3  }
0x36: {  	p1 =	seq.s32 s10, $0x1;
	s10 =	sld [smem:$0x3FB8];
	_ =	sdelay $0x3  }
0x37: {  	[smem:$0x3FB8] =	sst s10  }
0x38: {  	s10 =	sld [smem:$0x3FB9]  }
0x39: {  	_ = 	snop;
	(pc) =	sbr.ind lr, $3  }
0x3a: {  	_ = 	snop  }
0x3b: {  	_ = 	snop  }
0x3c: {  	p2 =	seq.s32 s10, $0x1;
	s10 =	sld [smem:$0x3FB8]  }
0x3d: {  	_ =	shalt  }
0x3e: {  	_ =	shalt  }
0x3f: {  	_ =	shalt  }
0x40: {  	_ =	shalt  }
0x41: {  	_ =	shalt  }
0x42: {  	_ =	shalt  }
0x43: {  	_ =	shalt  }
0x44: {  	_ =	shalt  }
0x45: {  	_ =	shalt  }
0x46: {  	_ =	shalt  }
0x47: {  	_ =	shalt  }
0x48: {  	_ =	shalt  }
0x49: {  	_ =	shalt  }
0x4a: {  	_ =	shalt  }
0x4b: {  	_ =	shalt  }
0x4c: {  	_ =	shalt  }
0x4d: {  	_ =	shalt  }
0x4e: {  	_ =	shalt  }
0x4f: {  	_ =	shalt  }
0x50: {  	_ =	shalt  }
0x51: {  	_ =	shalt  }
0x52: {  	_ =	shalt  }
0x53: {  	_ =	shalt  }
0x54: {  	_ =	shalt  }
0x55: {  	_ =	shalt  }
0x56: {  	_ =	shalt  }
0x57: {  	_ =	shalt  }
0x58: {  	_ =	shalt  }
0x59: {  	_ =	shalt  }
0x5a: {  	_ =	shalt  }
0x5b: {  	_ =	shalt  }
0x5c: {  	_ =	shalt  }
0x5d: {  	_ =	shalt  }
0x5e: {  	_ =	shalt  }
0x5f: {  	_ =	shalt  }
0x60: {  	_ =	shalt  }
0x61: {  	_ =	shalt  }
0x62: {  	_ =	shalt  }
0x63: {  	_ =	shalt  }
0x64: {  	_ =	shalt  }
0x65: {  	_ =	shalt  }
0x66: {  	_ =	shalt  }
0x67: {  	_ =	shalt  }
0x68: {  	_ =	shalt  }
0x69: {  	_ =	shalt  }
0x6a: {  	_ =	shalt  }
0x6b: {  	_ =	shalt  }
0x6c: {  	_ =	shalt  }
0x6d: {  	_ =	shalt  }
0x6e: {  	_ =	shalt  }
0x6f: {  	_ =	shalt  }
0x70: {  	_ =	shalt  }
0x71: {  	_ =	shalt  }
0x72: {  	_ =	shalt  }
0x73: {  	_ =	shalt  }
0x74: {  	_ =	shalt  }
0x75: {  	_ =	shalt  }
0x76: {  	_ =	shalt  }
0x77: {  	_ =	shalt  }
0x78: {  	_ =	shalt  }
0x79: {  	_ =	shalt  }
0x7a: {  	_ =	shalt  }
0x7b: {  	_ =	shalt  }
0x7c: {  	_ =	shalt  }
0x7d: {  	_ =	shalt  }
0x7e: {  	_ =	shalt  }
0x7f: {  	_ =	shalt  }
0x80: {  	_ =	shalt  }
0x81: {  	_ =	shalt  }
0x82: {  	_ =	shalt  }
0x83: {  	_ =	shalt  }
0x84: {  	_ =	shalt  }
0x85: {  	_ =	shalt  }
0x86: {  	_ =	shalt  }
0x87: {  	_ =	shalt  }
.Lfunc_end0:
.L_simem_size_0:
called_computation_lowered:
.L_overlay_start_0:
0x88: {  	s2 =	sld [smem:$0x3FD9]  }
0x89: {  	s3 =	sld [smem:$0x3FFE];
	_ =	sdelay $0x1  }
0x8a: {  	s1 =	srdreg.scid  }
0x8b: {  	s0 =	sand.u32 $0x1, s1  }
0x8c: {  	s14 =	sshll.u32 s0, $0xA;
	s2 =	sadd.s32 s3, s2  }
0x8d: {  	s2 =	sadd.s32 s2, s14  }
0x8e: {  	[smem:$0x3FC4] =	sst s2  }
0x8f: {  	_ = 	snop  }
0x90: {  	s2 =	sld [smem:$0x3FC9]  }
0x91: {  	s15 =	sld [smem:$0x3FD0]  }
0x92: {  	s4 =	sld [smem:$0x3FC8]  }
0x93: {  	s5 =	sld [smem:$0x3FC7]  }
0x94: {  	s7 =	simm.s32 $0xA;
	s8 =	simm.s32 $0x10;
	s6 =	sld [smem:$0x3FC6]  }
0x95: {  	[smem:s8], [sflag:s7] =	dma.local [hbm:s15], $0x1  }
0x96: {  	_ =	swait.eq [sflag:s7], $0x1  }
0x97: {  	s16 =	sld [smem:$0x10]  }
0x98: {  	s17 =	sld [smem:$0x11];
	[sflag:s7] =	ssyncset.done $0x0  }
0x99: {  	s9 =	sld [smem:$0x12];
	[sflag:s7] =	ssyncadd.s32 $0xFFFFFFFF  }
0x9a: {  	s18 =	sld [smem:$0x13];
	(tm) =	ssettm $0x1  }
0x9b: {  	s10 =	sld [smem:$0x3FFB];
	_ =	sdelay $0x3  }
0x9c: {  	_ =	strace s10  }
0x9d: {  	s10 =	sld [smem:$0x3FFC];
	_ =	sdelay $0x3  }
0x9e: {  	_ =	strace s10  }
0x9f: {  	s10 =	sld [smem:$0x3FFD];
	_ =	sdelay $0x3  }
0xa0: {  	_ =	strace s10  }
0xa1: {  	_ =	strace $0x8FFFFFFF  }
0xa2: {  	s19 =	sld [smem:$0x3FDB];
	_ =	sdelay $0x1  }
0xa3: {  	s11 =	simm.s32 $_scs_section_size  }
0xa4: {  	s12 =	simm.s32 $_size__tile_overlayer_lowered;
	s13 =	simm.s32 $_tile_overlayer_lowered  }
0xa5: {  	s22 =	simm.s32 $0x1BFF;
	s21 =	sshll.u32 s13, $0x1;
	s10 =	sadd.s32 s11, s19  }
0xa6: {  	s20 =	sshll.u32 s12, $0x1;
	s14 =	simm.s32 $0x0;
	s12 =	sadd.s32 s21, s10  }
0xa7: {  	[timem:s14], [sflag:s22] =	dma.local [hbm:s12], s20  }
0xa8: {  	_ =	swait.ge [sflag:s22], s20  }
0xa9: {  	s11 =	ssub.s32 $0x0, s20;
	[sflag:s22] =	ssyncset.done $0x0  }
0xaa: {  	[sflag:s22] =	ssyncadd.s32 s11;
	_ =	sdelay $0x1  }
0xab: {  	s23 =	simm.s32 $0x1B8B  }
0xac: {  	_ =	swait.ge [sflag:s23], $0x1  }
0xad: {  	[sflag:s23] =	ssyncset.done $0x0  }
0xae: {  	s25 =	simm.s32 $0x1B8E;
	s24 =	sld [smem:$0x3FFE];
	[sflag:s23] =	ssyncadd.s32 $0xFFFFFFFF  }
0xaf: {  	s26 =	simm.s32 $execute0_lowered;
	[smem:$0x3FD2] =	sst s25  }
0xb0: {  	s12 =	sshll.u32 s26, $0x1;
	_ =	strace $0x80000046;
	[dreg:$0x1] =	wrdreg $0xFFFFFFFF  }
0xb1: {  	s28 =	simm.s32 $_size_execute0_lowered;
	s10 =	sadd.s32 s10, s12;
	[dreg:$0x0] =	wrdreg $0x0  }
0xb2: {  	s12 =	sshll.u32 s28, $0x1;
	[dreg:$0x2] =	wrdreg s10  }
0xb3: {  	[dreg:$0x3] =	wrdreg s12  }
0xb4: {  	[dreg:$0x4] =	wrdreg $0xC0  }
0xb5: {  	_ =	task [dreg:s14], $0x5FFFF  }
0xb6: {  	[dreg:$0x1] =	wrdreg $0xFFFFFFFF  }
0xb7: {  	[dreg:$0x0] =	wrdreg $0x60  }
0xb8: {  	[dreg:$0x2] =	wrdreg s2  }
0xb9: {  	[dreg:$0x3] =	wrdreg s4  }
0xba: {  	[dreg:$0x4] =	wrdreg s5  }
0xbb: {  	[dreg:$0x5] =	wrdreg s24  }
0xbc: {  	[dreg:$0x6] =	wrdreg s6  }
0xbd: {  	[dreg:$0x7] =	wrdreg s16  }
0xbe: {  	[dreg:$0x8] =	wrdreg s17  }
0xbf: {  	[dreg:$0x9] =	wrdreg s9  }
0xc0: {  	[dreg:$0xa] =	wrdreg s18  }
0xc1: {  	[dreg:$0xb] =	wrdreg $0x9  }
0xc2: {  	_ =	task.clear_ibuf [dreg:s14], $0xCFFFF;
	_ =	strace $0x90000046  }
0xc3: {  	s29 =	simm.s32 $0x9;
	_ =	strace $0x80000048  }
0xc4: {  	_ =	swait.ge [sflag:s29], $0x1  }
0xc5: {  	[sflag:s29] =	ssyncadd.s32 $0xFFFFFFFF  }
0xc6: {  	_ =	strace $0x90000048  }
0xc7: {  	_ =	sfence  }
0xc8: {  	s30 =	sld [smem:$0x0];
	_ =	sdelay $0x2  }
0xc9: {  	s31 =	sshll.u32 s1, $0xD;
	s1 =	sshrl.u32 s1, $0x2  }
0xca: {  	s3 =	sand.u32 $0x4000, s31;
	s1 =	sadd.s32 s1, s30  }
0xcb: {  	s0 =	sor.u32 s3, s0;
	s1 =	sshll.u32 s1, $0x11  }
0xcc: {  	s0 =	sor.u32 s1, s0  }
0xcd: {  	s0 =	sadd.s32 $0x8F2B, s0  }
0xce: {  	[sflag:s0] =	ssyncadd.remote.s32 $0x1  }
0xcf: {  	_ =	sfence.sel $0xFFFF  }
0xd0: {  	[dreg:$0x0] =	wrdreg $0xFFFFFFFF;
	(pc) =	sbr.abs _section_cstart, $3  }
0xd1: {  	[dreg:$0x1] =	wrdreg $0xFFFFFFFF  }
0xd2: {  	_ =	task.clear_ibuf [dreg:s14], $0x2FFFF;
	_ =	strace $0x9FFFFFFF  }
0xd3: {  	(tm) =	ssettm $0x7FFFFFFF  }
tec
execute0_lowered:
.L_overlay_start_1:
0x0: {  	(tag) =	ssettag $0x1  }
0x1: {  	s0 =	rddreg [dreg:$0x0]  }
0x2: {  	s1 =	rddreg [dreg:$0x1]  }
0x3: {  	s2 =	rddreg [dreg:$0x2]  }
0x4: {  	s9 =	rddreg [dreg:$0x3]  }
0x5: {  	s4 =	rddreg [dreg:$0x4]  }
0x6: {  	s16 =	rddreg [dreg:$0x5]  }
0x7: {  	s15 =	rddreg [dreg:$0x6]  }
0x8: {  	s5 =	rddreg [dreg:$0x7]  }
0x9: {  	s6 =	rddreg [dreg:$0x8]  }
0xa: {  	s7 =	srdreg.scid;
	s3 =	rddreg [dreg:$0x9]  }
0xb: {  	s8 =	simm.s32 $0x0;
	s19 =	simm.s32 $0x1;
	s22 =	sand.u32 $0x1, s7  }
0xc: {  	[smem:$0x7FF] =	sst s8;
	s7 =	stileid.u32;
	s9 =	sadd.s32 $0x600, s9  }
0xd: {  	s12 =	sadd.s32 $0x2DF0, s16;
	s14 =	sadd.s32 $0x2DF0, s15;
	s10 =	ssub.s32 $0x2, s22  }
0xe: {  	_ =	strace $0x80000047;
	s13 =	smul.u32 $0x310, s7;
	p0 =	seq.s32 s22, $0x1  }
0xf: {  	p2 =	seq.s32 s7, $0x0;
	p1 =	seq.s32 s7, $0x1;
	s21 =	sor.u32 s22, s7  }
0x10: {  	s11 =	sshrl.u32 s10, $0x1;
	p2 =	por !p2, !p0;
	s18 =	simm.s32 @!p1 $0x0  }
0x11: {  	p3 =	por !p1, !p0;
	p5 =	sne.s32 s21, $0x0;
	s21 =	simm.s32 $0x0  }
0x12: {  	s17 =	ssub.s32 s10, s11;
	s10 =	smul.u32 $0xC400, s7;
	s11 =	sadd.s32 s16, s13  }
0x13: {  	s13 =	sadd.s32 s15, s13;
	s18 =	simm.s32 @p1 $0x1;
	p2 =	por !p2, !p2  }
0x14: {  	p4 =	por !p3, !p3;
	s15 =	sadd.s32 $0x30D0, s15;
	p1 =	sne.s32 s22, $0x0  }
.Ltmp0:
0x15: {  	[smem:$0x7FB] =	sst s18;
	s18 =	simm.s32 @!p1 $0x0;
	(pc) =	sbr.rel .LBB2_1-.Ltmp0, $4  }
0x16: {  	s16 =	sadd.s32 $0x30D0, s16;
	s18 =	simm.s32 @p1 $0x1;
	p1 =	seq.s32 s7, $0xF  }
0x17: {  	s17 =	smax.u32 s17, $0x1;
	p6 =	por !p4, p2;
	s20 =	simm.s32 @!p1 $0x0  }
0x18: {  	p4 =	sne.s32 @!p2 s22, $0x0;
	[smem:$0x7FC] =	sst s18;
	s20 =	simm.s32 @p1 $0x1  }
0x19: {  	s18 =	simm.s32 $0x2;
	[smem:$0x7FD] =	sst s20;
	s20 =	simm.s32 $0x80  }
.LBB2_16:
0x1a: {  	[hbm4b:s26+s8] =	stream.linear.scatter [tilespmem:s23], [sflag:$0x2], $0x80, $0x38;
	[tilespmem:$0xCA00] =	vst v63  }
0x1b: {  	_ =	swait.ge [sflag:s18], $0x1880  }
0x1c: {  	[sflag:s18] =	ssyncset.done $0x0  }
0x1d: {  	[sflag:s18] =	ssyncadd.s32 $0xFFFFE780  }
.LBB2_17:
0x1e: {  	s23 =	sshll.u32 @!p5 s22, $0x8;
	s24 =	sshll.u32 @!p5 s22, $0x7  }
0x1f: {  	s23 =	sand.u32 @!p5 $0xFFFFF800, s23;
	s24 =	sand.u32 @!p5 $0x380, s24  }
0x20: {  	s23 =	sor.u32 @!p5 s24, s23  }
0x21: {  	s25 =	simm.s32 @!p5 $0x400;
	s23 =	sshrl.u32 @!p5 s23, $0x3  }
0x22: {  	s26 =	simm.s32 @!p5 $0xC480;
	s24 =	simm.s32 @!p5 $0x80;
	s23 =	sadd.s32 @!p5 s2, s23  }
0x23: {  	[tilespmem:s26], [sflag:$0x1] =	stream.strided.gather @!p5 [hbm4b:s23+s24], $0x100, s25, s24, $0x38;
	[tilespmem:$0xCA00] =	vst v63  }
0x24: {  	s23 =	simm.s32 @!p5 $0x1  }
0x25: {  	_ =	swait.ge @!p5 [sflag:s23], $0x100  }
0x26: {  	[sflag:s23] =	ssyncset.done @!p5 $0x0  }
0x27: {  	[sflag:s23] =	ssyncadd.s32 @!p5 $0xFFFFFF00;
	s23 =	simm.s32 @!p5 $0x0  }
0x28: {  	[hbm4b:s5+s23] =	stream.linear.scatter @!p5 [tilespmem:s26], [sflag:$0x2], $0x100, $0x38;
	[tilespmem:$0xCA00] =	vst v63  }
0x29: {  	s23 =	simm.s32 @!p5 $0x2  }
0x2a: {  	s24 =	sshll.u32 @!p6 s22, $0x7;
	_ =	swait.ge @!p5 [sflag:s23], $0x100  }
0x2b: {  	s24 =	sadd.s32 @!p6 $0x6400, s24;
	[sflag:s23] =	ssyncset.done @!p5 $0x0  }
0x2c: {  	[sflag:s23] =	ssyncadd.s32 @!p5 $0xFFFFFF00;
	s23 =	sshrl.u32 @!p6 s24, $0x3  }
0x2d: {  	s25 =	simm.s32 @!p6 $0xC580;
	s24 =	simm.s32 @!p6 $0x0;
	s23 =	sadd.s32 @!p6 s9, s23  }
0x2e: {  	[tilespmem:s25], [sflag:$0x1] =	stream.linear.gather @!p6 [hbm4b:s23+s24], $0x80, $0x38;
	[tilespmem:$0xCA00] =	vst v63  }
0x2f: {  	s23 =	simm.s32 @!p6 $0x1  }
0x30: {  	_ =	swait.ge @!p6 [sflag:s23], $0x80  }
0x31: {  	[sflag:s23] =	ssyncset.done @!p6 $0x0;
	s31 =	sld [smem:$0x7FB]  }
0x32: {  	[sflag:s23] =	ssyncadd.s32 @!p6 $0xFFFFFF80  }
0x33: {  	[hbm4b:s15+s24] =	stream.linear.scatter @!p6 [tilespmem:s25], [sflag:$0x2], $0x20, $0x38;
	[tilespmem:$0xCA00] =	vst v63  }
0x34: {  	p1 =	por @!p6 $0x1, $0x1;
	s23 =	simm.s32 @!p6 $0x2;
	p3 =	seq.s32 s31, $0x1  }
0x35: {  	_ =	swait.ge @!p6 [sflag:s23], $0x20;
	p3 =	por @!p6 p1, p1  }
0x36: {  	[sflag:s23] =	ssyncset.done @!p6 $0x0;
	p1 =	por @!p2 !p3, p4  }
0x37: {  	[sflag:s23] =	ssyncadd.s32 @!p6 $0xFFFFFFE0;
	p1 =	por p1, p2  }
0x38: {  	s23 =	simm.s32 @!p1 $0x0;
	s24 =	simm.s32 @!p1 $0xC600;
	s25 =	simm.s32 @!p1 $0x1  }
0x39: {  	[tilespmem:s24], [sflag:$0x1] =	stream.linear.gather @!p1 [hbm4b:s4+s23], $0x400, $0x38;
	[tilespmem:$0xCA00] =	vst v63  }
0x3a: {  	_ =	swait.ge @!p1 [sflag:s25], $0x400  }
0x3b: {  	[sflag:s25] =	ssyncset.done @!p1 $0x0  }
0x3c: {  	[sflag:s25] =	ssyncadd.s32 @!p1 $0xFFFFFC00  }
0x3d: {  	[hbm4b:s6+s23] =	stream.linear.scatter @!p1 [tilespmem:s24], [sflag:$0x2], $0x400, $0x38;
	[tilespmem:$0xCA00] =	vst v63  }
0x3e: {  	s22 =	sshll.u32 @p2 s22, $0x4;
	s23 =	simm.s32 @!p1 $0x2  }
0x3f: {  	s22 =	sand.u32 @p2 $0x1FFFFFF0, s22;
	_ =	swait.ge @!p1 [sflag:s23], $0x400  }
0x40: {  	s22 =	sadd.s32 @p2 s9, s22;
	[sflag:s23] =	ssyncset.done @!p1 $0x0  }
0x41: {  	s24 =	simm.s32 @p2 $0xC580;
	[sflag:s23] =	ssyncadd.s32 @!p1 $0xFFFFFC00;
	s23 =	simm.s32 @p2 $0x0  }
0x42: {  	[tilespmem:s24], [sflag:$0x1] =	stream.linear.gather @p2 [hbm4b:s22+s23], $0x80, $0x38;
	[tilespmem:$0xCA00] =	vst v63  }
0x43: {  	s22 =	simm.s32 @p2 $0x1  }
0x44: {  	s21 =	sadd.s32 $0x1, s21;
	_ =	swait.ge @p2 [sflag:s22], $0x80  }
0x45: {  	p1 =	sne.s32 s21, s17;
	[sflag:s22] =	ssyncset.done @p2 $0x0  }
.Ltmp1:
0x46: {  	[sflag:s22] =	ssyncadd.s32 @p2 $0xFFFFFF80;
	s22 =	simm.s32 @p2 $0x2;
	(pc) =	sbr.rel @!p1 .LBB2_18-.Ltmp1, $4  }
0x47: {  	[hbm4b:s16+s23] =	stream.linear.scatter @p2 [tilespmem:s24], [sflag:$0x2], $0x20, $0x38;
	[tilespmem:$0xCA00] =	vst v63  }
0x48: {  	_ =	swait.ge @p2 [sflag:s22], $0x20  }
0x49: {  	[sflag:s22] =	ssyncset.done @p2 $0x0  }
0x4a: {  	[sflag:s22] =	ssyncadd.s32 @p2 $0xFFFFFFE0  }
.LBB2_1:
0x4b: {  	[tilespmem:s8], [sflag:$0x2] =	stream.linear.gather [hbm4b:s4+s8], $0x10, $0x38;
	[tilespmem:$0xCA00] =	vst v63  }
0x4c: {  	_ =	swait.ge [sflag:s18], $0x10  }
0x4d: {  	[sflag:s18] =	ssyncset.done $0x0  }
0x4e: {  	[sflag:s18] =	ssyncadd.s32 $0xFFFFFFF0  }
0x4f: {  	v0 =	vld [tilespmem:$0x0];
	_ =	sdelay $0x4  }
0x50: {  	(v2sf) =	vpush v0, $0x0;
	_ =	sdelay $0xe  }
0x51: {  	s22 =	spop (v2sf)  }
0x52: {  	s22 =	sadd.s32 $0xFFFFFFFF, s22  }
0x53: {  	s23 =	smulhi.u32 $0x51EB851F, s22;
	s24 =	sshra.s32 s22, $0x1F  }
0x54: {  	s24 =	smul.u32 $0x51EB851F, s24;
	_ =	sdelay $0x1  }
0x55: {  	s23 =	sadd.s32 s24, s23  }
0x56: {  	s24 =	sshrl.u32 s23, $0x1F;
	s23 =	sshra.s32 s23, $0x6  }
0x57: {  	s23 =	sadd.s32 s24, s23  }
0x58: {  	s23 =	smul.u32 $0xC8, s23;
	_ =	sdelay $0x1  }
0x59: {  	s22 =	ssub.s32 s22, s23  }
0x5a: {  	p3 =	slt.s32 s22, $0x0;
	s23 =	sadd.s32 $0xC8, s22  }
0x5b: {  	s22 =	smov.u32 @p3 s23  }
0x5c: {  	s23 =	sshll.u32 s22, $0x10  }
0x5d: {  	s31 =	sshra.s32 s23, $0x1F;
	s23 =	sand.u32 $0x7, s22  }
0x5e: {  	s26 =	sld [smem:$0x7FC];
	p3 =	slt.s32 s22, $0x1;
	p1 =	sne.s32 s23, $0x0  }
0x5f: {  	p1 =	por !p3, !p1  }
0x60: {  	s25 =	simm.s32 $0x1;
	s24 =	sand.u32 $0x7, s31;
	p1 =	por !p1, !p1  }
0x61: {  	s24 =	sadd.s32 s24, s22;
	s25 =	simm.s32 @!p1 $0x0;
	p1 =	seq.s32 s26, $0x1  }
.Ltmp2:
0x62: {  	s24 =	sshll.u32 s24, $0x10;
	(pc) =	sbr.rel @p1 .LBB2_12-.Ltmp2, $4  }
0x63: {  	s24 =	sshra.s32 s24, $0x13  }
0x64: {  	s25 =	ssub.s32 s24, s25  }
0x65: {  	s24 =	sshll.u32 s25, $0x3  }
0x66: {  	s24 =	ssub.s32 s22, s24  }
0x67: {  	s29 =	sld [smem:$0x7FD];
	_ =	sdelay $0x2  }
0x68: {  	p1 =	seq.s32 s29, $0x1  }
.Ltmp3:
0x69: {  	_ = 	snop;
	(pc) =	sbr.rel @!p1 .LBB2_3-.Ltmp3, $3  }
0x6a: {  	_ =	sdelay $0x1  }
0x6b: {  	s28 =	smul.u32 $0xC3800, s25;
	s26 =	sshrl.u32 s24, $0x3  }
0x6c: {  	s26 =	smul.u32 $0x31000, s26  }
0x6d: {  	s28 =	sshrl.u32 s28, $0x3  }
0x6e: {  	s28 =	sadd.s32 s0, s28  }
0x6f: {  	s29 =	simm.s32 $0x0;
	s28 =	sadd.s32 $0x16F80, s28  }
0x70: {  	[tilespmem:s20], [sflag:$0x1] =	stream.linear.gather [hbm4b:s28+s29], $0xB800, $0x38;
	[tilespmem:$0xCA00] =	vst v63  }
0x71: {  	s28 =	sshll.u32 s23, $0x9  }
0x72: {  	s26 =	sadd.s32 s28, s26  }
0x73: {  	_ =	swait.ge [sflag:s19], $0xB800;
	s26 =	sshra.s32 s26, $0x2  }
0x74: {  	s30 =	sadd.s32 $0x0, s12;
	[sflag:s19] =	ssyncset.done $0x0;
	s26 =	sadd.s32 $0x80, s26  }
0x75: {  	s28 =	simm.s32 $0x10;
	[sflag:s19] =	ssyncadd.s32 $0xFFFF4800;
	s29 =	sadd.s32 $0x400, s26  }
.LBB2_7:
0x76: {  	[hbm4b:s30+s8] =	stream.linear.scatter [tilespmem:s26], [sflag:$0x2], $0x80, $0x38;
	[tilespmem:$0xCA00] =	vst v63  }
0x77: {  	s30 =	smov.u32 s28;
	s26 =	smov.u32 s29;
	p1 =	seq.s32 s28, $0x2D0  }
.Ltmp4:
0x78: {  	s28 =	sadd.s32 $0x10, s28;
	(pc) =	sbr.rel @!p1 .LBB2_7-.Ltmp4, $2  }
0x79: {  	_ =	sdelay $0x2  }
0x7a: {  	s29 =	sadd.s32 $0x400, s29;
	s30 =	sadd.s32 s30, s12  }
0x7b: {  	[hbm4b:s30+s8] =	stream.linear.scatter [tilespmem:s26], [sflag:$0x2], $0x80, $0x38;
	[tilespmem:$0xCA00] =	vst v63  }
.Ltmp5:
0x7c: {  	_ = 	snop;
	(pc) =	sbr.rel @!p0 .LBB2_17-.Ltmp5, $4  }
.Ltmp6:
0x7d: {  	_ = 	snop;
	(pc) =	sbr.rel @p0 .LBB2_9-.Ltmp6, $4  }
0x7e: {  	_ =	swait.ge [sflag:s18], $0x1700  }
0x7f: {  	[sflag:s18] =	ssyncset.done $0x0  }
0x80: {  	[sflag:s18] =	ssyncadd.s32 $0xFFFFE900  }
0x81: {  	_ = 	snop  }
.LBB2_12:
.Ltmp7:
0x82: {  	(pc) =	sbr.rel @!p0 .LBB2_17-.Ltmp7, $1  }
0x83: {  	_ =	sdelay $0x3  }
0x84: {  	s26 =	sld [smem:$0x7FD];
	_ =	sdelay $0x2  }
0x85: {  	p1 =	seq.s32 s26, $0x1  }
.Ltmp8:
0x86: {  	_ = 	snop;
	(pc) =	sbr.rel @!p1 .LBB2_14-.Ltmp8, $1  }
0x87: {  	_ =	sdelay $0x3  }
.LBB2_9:
0x88: {  	s25 =	smul.u32 $0xC3800, s25  }
0x89: {  	s24 =	sshrl.u32 s24, $0x3  }
0x8a: {  	s24 =	smul.u32 $0x31000, s24;
	s25 =	sadd.s32 $0xB7C00, s25  }
0x8b: {  	s23 =	sshll.u32 s23, $0x9;
	s25 =	sshrl.u32 s25, $0x3  }
0x8c: {  	s26 =	simm.s32 $0x0;
	s23 =	sor.u32 s23, s24;
	s25 =	sadd.s32 s1, s25  }
0x8d: {  	[tilespmem:s20], [sflag:$0x1] =	stream.linear.gather [hbm4b:s25+s26], $0xB800, $0x38;
	[tilespmem:$0xCA00] =	vst v63  }
0x8e: {  	s23 =	sshra.s32 s23, $0x2;
	_ =	swait.ge [sflag:s19], $0xB800  }
0x8f: {  	s24 =	simm.s32 $0x10;
	s23 =	sadd.s32 $0x80, s23;
	[sflag:s19] =	ssyncset.done $0x0  }
0x90: {  	s26 =	sadd.s32 $0x0, s14;
	s25 =	sadd.s32 $0x400, s23;
	[sflag:s19] =	ssyncadd.s32 $0xFFFF4800  }
.LBB2_10:
0x91: {  	[hbm4b:s26+s8] =	stream.linear.scatter [tilespmem:s23], [sflag:$0x2], $0x80, $0x38;
	[tilespmem:$0xCA00] =	vst v63  }
0x92: {  	s26 =	smov.u32 s24;
	s23 =	smov.u32 s25;
	p1 =	sne.s32 s24, $0x2D0  }
.Ltmp9:
0x93: {  	s24 =	sadd.s32 $0x10, s24;
	(pc) =	sbr.rel @p1 .LBB2_10-.Ltmp9, $2  }
0x94: {  	_ =	sdelay $0x2  }
0x95: {  	s25 =	sadd.s32 $0x400, s25;
	s26 =	sadd.s32 s26, s14  }
.Ltmp10:
0x96: {  	(pc) =	sbr.rel .LBB2_17-.Ltmp10, $4  }
0x97: {  	[hbm4b:s26+s8] =	stream.linear.scatter [tilespmem:s23], [sflag:$0x2], $0x80, $0x38;
	[tilespmem:$0xCA00] =	vst v63  }
0x98: {  	_ =	swait.ge [sflag:s18], $0x1700  }
0x99: {  	[sflag:s18] =	ssyncset.done $0x0  }
0x9a: {  	[sflag:s18] =	ssyncadd.s32 $0xFFFFE900  }
.LBB2_3:
0x9b: {  	s28 =	sadd.s32 s10, s28  }
0x9c: {  	s28 =	sshrl.u32 s28, $0x3  }
0x9d: {  	s29 =	simm.s32 $0x0;
	s28 =	sadd.s32 s0, s28  }
0x9e: {  	[tilespmem:s20], [sflag:$0x1] =	stream.linear.gather [hbm4b:s28+s29], $0xC400, $0x38;
	[tilespmem:$0xCA00] =	vst v63  }
0x9f: {  	s28 =	sshll.u32 s23, $0x9  }
0xa0: {  	s26 =	sadd.s32 s28, s26  }
0xa1: {  	_ =	swait.ge [sflag:s19], $0xC400;
	s26 =	sshra.s32 s26, $0x2  }
0xa2: {  	s30 =	sadd.s32 $0x0, s11;
	[sflag:s19] =	ssyncset.done $0x0;
	s26 =	sadd.s32 $0x80, s26  }
0xa3: {  	s28 =	simm.s32 $0x10;
	[sflag:s19] =	ssyncadd.s32 $0xFFFF3C00;
	s29 =	sadd.s32 $0x400, s26  }
.LBB2_4:
0xa4: {  	[hbm4b:s30+s8] =	stream.linear.scatter [tilespmem:s26], [sflag:$0x2], $0x80, $0x38;
	[tilespmem:$0xCA00] =	vst v63  }
0xa5: {  	s30 =	smov.u32 s28;
	s26 =	smov.u32 s29;
	p1 =	seq.s32 s28, $0x300  }
.Ltmp11:
0xa6: {  	s28 =	sadd.s32 $0x10, s28;
	(pc) =	sbr.rel @!p1 .LBB2_4-.Ltmp11, $2  }
0xa7: {  	_ =	sdelay $0x2  }
0xa8: {  	s29 =	sadd.s32 $0x400, s29;
	s30 =	sadd.s32 s30, s11  }
.Ltmp12:
0xa9: {  	(pc) =	sbr.rel @!p0 .LBB2_17-.Ltmp12, $4  }
0xaa: {  	[hbm4b:s30+s8] =	stream.linear.scatter [tilespmem:s26], [sflag:$0x2], $0x80, $0x38;
	[tilespmem:$0xCA00] =	vst v63  }
0xab: {  	_ =	swait.ge [sflag:s18], $0x1880  }
0xac: {  	[sflag:s18] =	ssyncset.done $0x0  }
0xad: {  	[sflag:s18] =	ssyncadd.s32 $0xFFFFE780  }
.LBB2_14:
0xae: {  	s25 =	smul.u32 $0xC3800, s25  }
0xaf: {  	s24 =	sshrl.u32 s24, $0x3  }
0xb0: {  	s24 =	smul.u32 $0x31000, s24;
	s25 =	sadd.s32 s10, s25  }
0xb1: {  	s23 =	sshll.u32 s23, $0x9;
	s25 =	sshrl.u32 s25, $0x3  }
0xb2: {  	s26 =	simm.s32 $0x0;
	s23 =	sor.u32 s23, s24;
	s25 =	sadd.s32 s1, s25  }
0xb3: {  	[tilespmem:s20], [sflag:$0x1] =	stream.linear.gather [hbm4b:s25+s26], $0xC400, $0x38;
	[tilespmem:$0xCA00] =	vst v63  }
0xb4: {  	s23 =	sshra.s32 s23, $0x2;
	_ =	swait.ge [sflag:s19], $0xC400  }
0xb5: {  	s24 =	simm.s32 $0x10;
	s23 =	sadd.s32 $0x80, s23;
	[sflag:s19] =	ssyncset.done $0x0  }
0xb6: {  	s26 =	sadd.s32 $0x0, s13;
	s25 =	sadd.s32 $0x400, s23;
	[sflag:s19] =	ssyncadd.s32 $0xFFFF3C00  }
.LBB2_15:
0xb7: {  	[hbm4b:s26+s8] =	stream.linear.scatter [tilespmem:s23], [sflag:$0x2], $0x80, $0x38;
	[tilespmem:$0xCA00] =	vst v63  }
0xb8: {  	s26 =	smov.u32 s24;
	s23 =	smov.u32 s25;
	p1 =	sne.s32 s24, $0x300  }
.Ltmp13:
0xb9: {  	s24 =	sadd.s32 $0x10, s24;
	(pc) =	sbr.rel @p1 .LBB2_15-.Ltmp13, $2  }
0xba: {  	_ =	sdelay $0x2  }
0xbb: {  	s25 =	sadd.s32 $0x400, s25;
	s26 =	sadd.s32 s26, s13  }
.Ltmp14:
0xbc: {  	_ = 	snop;
	(pc) =	sbr.rel .LBB2_16-.Ltmp14, $1  }
0xbd: {  	_ =	sdelay $0x3  }
.LBB2_18:
0xbe: {  	_ =	sfence.sel $0x180000  }
0xbf: {  	[bflag:$0x0] =	sbarrier.arrive $0xFFFF  }
0xc0: {  	p0 =	sne.s32 s7, $0x0;
	_ =	strace $0x90000047  }
0xc1: {  	s0 =	sadd.s32 @!p0 $0x100000, s3;
	[bflag:$0x2] =	sbarrier.arrive $0xFFFF  }
0xc2: {  	[sflag:s0] =	ssyncadd.tile.s32 @!p0 $0x1;
	_ =	shalt  }
.Lfunc_end2:
_tile_overlayer_lowered:
.L_overlay_start_2:
0xc3: {  	(tag) =	ssettag $0x2  }
0xc4: {  	s0 =	rddreg [dreg:$0x0];
	s2 =	stileid.u32  }
0xc5: {  	s1 =	rddreg [dreg:$0x1];
	p0 =	sne.s32 s2, $0x0  }
0xc6: {  	s3 =	rddreg [dreg:$0x2];
	[bflag:$0x3] =	sbarrier.arrive $0xFFFF;
	s2 =	simm.s32 @!p0 $0x1C02  }
0xc7: {  	[timem:s3], [sflag:s2] =	dma.local @!p0 [hbm:s0], s1  }
0xc8: {  	s0 =	simm.s32 @!p0 $0x2  }
0xc9: {  	_ =	swait.ge @!p0 [sflag:s0], s1  }
0xca: {  	s1 =	ssub.s32 @!p0 $0x0, s1;
	[sflag:s0] =	ssyncset.done @!p0 $0x0  }
0xcb: {  	[sflag:s0] =	ssyncadd.s32 @!p0 s1  }
0xcc: {  	[bflag:$0x3] =	sbarrier.arrive $0xFFFF  }
0xcd: {  	_ =	shalt  }

</sc_bundles>
